<compile_context>
chip_gen: v7x
topology: tpu7x:2x2x1
jax: 0.10.2.dev20260603
libtpu: 0.0.44.dev20260713+nightly
codegen_flags: <defaults>
</compile_context>

<pallas_src>
import functools

import jax
import jax.numpy as jnp
from jax import lax
from jax.experimental import pallas as pl
from jax.experimental.pallas import tpu as pltpu
from jax.experimental.pallas import tpu_sc as plsc

N = 10000
D = 128
DH = D // 2
E = 320000
NC = 2
NS = 16
NW = NC * NS
CH = 120
NPAD = 10240
RPT = NPAD // NS
HW = 16

ACHT = -(-(E // NS) // CH)
DCHT = -(-(E // NW) // CH)

_f32 = jnp.float32
_i32 = jnp.int32
_mesh = plsc.VectorSubcoreMesh(core_axis_name="c", subcore_axis_name="s",
                               num_cores=NC, num_subcores=NS)
_sc_params = pltpu.CompilerParams(use_tc_tiling_on_sc=False)


def _pad_chunks(a, parts, fill):
    per = E // parts
    pad = -per % CH
    a2 = jnp.pad(a.reshape(parts, per), ((0, 0), (0, pad)),
                 constant_values=fill)
    return a2.reshape(parts * ((per + pad) // CH), CH)


@functools.partial(
    pl.kernel,
    out_type=jax.ShapeDtypeStruct((NC, NPAD, HW), _f32),
    mesh=_mesh,
    compiler_params=_sc_params,
    scratch_types=[
        pltpu.VMEM_SHARED((NPAD, HW), _f32),
        pltpu.VMEM((DCHT, CH), _i32),
        pltpu.VMEM((CH, HW), _f32),
        pltpu.VMEM((RPT, HW), _f32),
        pltpu.SemaphoreType.DMA,
    ],
)
def _deg_kernel(dst_hbm, out_hbm, hist, dblk, ones_v, zbuf, sem):
    cid = lax.axis_index("c")
    sid = lax.axis_index("s")
    wid = cid * NS + sid

    def _fill(i, _):
        zbuf[i, :] = jnp.zeros((HW,), _f32)
        return 0
    lax.fori_loop(0, RPT, _fill, 0)

    def _fill1(i, _):
        ones_v[i, :] = jnp.ones((HW,), _f32)
        return 0
    lax.fori_loop(0, CH, _fill1, 0)

    pltpu.sync_copy(dst_hbm.at[pl.ds(wid * DCHT, DCHT)], dblk)
    pltpu.sync_copy(zbuf, hist.at[pl.ds(sid * RPT, RPT)])
    plsc.subcore_barrier()

    def _grp(g, _):
        s0 = pltpu.async_copy(ones_v, hist.at[dblk.at[g * 2]], sem, add=True)
        s1 = pltpu.async_copy(ones_v, hist.at[dblk.at[g * 2 + 1]], sem,
                              add=True)
        s0.wait()
        s1.wait()
        return 0
    lax.fori_loop(0, DCHT // 2, _grp, 0)

    if DCHT % 2:
        pltpu.sync_copy(ones_v, hist.at[dblk.at[DCHT - 1]], add=True)

    plsc.subcore_barrier()
    pltpu.sync_copy(hist.at[pl.ds(sid * RPT, RPT)],
                    out_hbm.at[cid, pl.ds(sid * RPT, RPT)])


@functools.partial(
    pl.kernel,
    out_type=jax.ShapeDtypeStruct((NC, NPAD, DH), _f32),
    mesh=_mesh,
    compiler_params=_sc_params,
    scratch_types=[
        pltpu.VMEM_SHARED((NPAD, DH), _f32),
        pltpu.VMEM((ACHT, CH), _i32),
        pltpu.VMEM((ACHT, CH), _i32),
        [pltpu.VMEM((CH, DH), _f32) for _ in range(2)],
        pltpu.VMEM((RPT // 4, DH), _f32),
        pltpu.SemaphoreType.DMA,
        pltpu.SemaphoreType.DMA,
    ],
)
def _agg_kernel(src_hbm, dst_hbm, xsh_hbm, out_hbm,
                acc, sblk, dblk, rows, zbuf, gsem, ssem):
    cid = lax.axis_index("c")
    sid = lax.axis_index("s")

    def _fill(i, _):
        for j in range(DH // 16):
            zbuf[i, pl.ds(j * 16, 16)] = jnp.zeros((16,), _f32)
        return 0
    lax.fori_loop(0, RPT // 4, _fill, 0)

    for i in range(4):
        pltpu.sync_copy(zbuf, acc.at[pl.ds(sid * RPT + i * (RPT // 4),
                                           RPT // 4)])
    pltpu.sync_copy(src_hbm.at[pl.ds(sid * ACHT, ACHT)], sblk)
    pltpu.sync_copy(dst_hbm.at[pl.ds(sid * ACHT, ACHT)], dblk)
    plsc.subcore_barrier()

    xs = xsh_hbm.at[cid]

    def _pair(g, _):
        c0 = g * 2
        g0 = pltpu.async_copy(xs.at[sblk.at[c0]], rows[0], gsem)
        g1 = pltpu.async_copy(xs.at[sblk.at[c0 + 1]], rows[1], gsem)
        g0.wait()
        s0 = pltpu.async_copy(rows[0], acc.at[dblk.at[c0]], ssem, add=True)
        g1.wait()
        s1 = pltpu.async_copy(rows[1], acc.at[dblk.at[c0 + 1]], ssem,
                              add=True)
        s0.wait()
        s1.wait()
        return 0
    lax.fori_loop(0, ACHT // 2, _pair, 0)

    if ACHT % 2:
        pltpu.async_copy(xs.at[sblk.at[ACHT - 1]], rows[0], gsem).wait()
        pltpu.async_copy(rows[0], acc.at[dblk.at[ACHT - 1]], ssem,
                         add=True).wait()

    plsc.subcore_barrier()
    pltpu.sync_copy(acc.at[pl.ds(sid * RPT, RPT)],
                    out_hbm.at[cid, pl.ds(sid * RPT, RPT)])


_BR = 2000
_NB = N // _BR


def _prep_body(x_ref, wt_ref, hist_ref, xs_ref, dis_ref):
    h = hist_ref[...]
    deg = h[0, :, 0:1] + h[1, :, 0:1] + 1.0
    dis = lax.rsqrt(deg)
    xw = jnp.dot(x_ref[...], wt_ref[0], preferred_element_type=_f32)
    xs_ref[0] = xw * dis
    dis_ref[...] = dis


def _fin_body(x_ref, xs0_ref, xs1_ref, agg0_ref, agg1_ref, dis_ref, b_ref,
              g_ref, be_ref, o_ref, t_ref, s1_ref, s2_ref):
    p = pl.program_id(0)
    i = pl.program_id(1)

    @pl.when(p == 0)
    def _():
        a = jnp.concatenate([agg0_ref[0] + xs0_ref[0],
                             agg1_ref[0] + xs1_ref[0]], axis=1)
        t = x_ref[...] + dis_ref[...] * a + b_ref[...]
        t_ref[pl.ds(i * _BR, _BR), :] = t

        @pl.when(i == 0)
        def _():
            s1_ref[...] = jnp.zeros_like(s1_ref)
            s2_ref[...] = jnp.zeros_like(s2_ref)

        s1_ref[...] += jnp.sum(t, axis=0, keepdims=True)
        s2_ref[...] += jnp.sum(t * t, axis=0, keepdims=True)

    @pl.when(p == 1)
    def _():
        mean = s1_ref[...] * (1.0 / N)
        var = s2_ref[...] * (1.0 / N) - mean * mean
        t = t_ref[pl.ds(i * _BR, _BR), :]
        o_ref[...] = (g_ref[...] * (t - mean) * lax.rsqrt(var + 1e-5)
                      + be_ref[...])


def kernel(x, edge_index, virt_h, virt_edge_index, W, b, gamma, beta):
    del virt_h, virt_edge_index
    src = edge_index[0].astype(_i32)
    dst = edge_index[1].astype(_i32)
    dst_deg = _pad_chunks(dst, NW, NPAD - 1)
    src_agg = _pad_chunks(src, NS, 0)
    dst_agg = _pad_chunks(dst, NS, NPAD - 1)
    wt = W.T
    wth = jnp.stack([wt[:, :DH], wt[:, DH:]])
    b2 = b.reshape(1, D)
    g2 = gamma.reshape(1, D)
    be2 = beta.reshape(1, D)

    hist = _deg_kernel(dst_deg)

    xsh, dis = pl.pallas_call(
        _prep_body,
        grid=(_NB, 2),
        in_specs=[
            pl.BlockSpec((_BR, D), lambda i, j: (i, 0)),
            pl.BlockSpec((1, D, DH), lambda i, j: (j, 0, 0)),
            pl.BlockSpec((NC, _BR, HW), lambda i, j: (0, i, 0)),
        ],
        out_specs=[
            pl.BlockSpec((1, _BR, DH), lambda i, j: (j, i, 0)),
            pl.BlockSpec((_BR, 1), lambda i, j: (i, 0)),
        ],
        out_shape=[
            jax.ShapeDtypeStruct((NC, N, DH), _f32),
            jax.ShapeDtypeStruct((N, 1), _f32),
        ],
    )(x, wth, hist)

    agg = _agg_kernel(src_agg, dst_agg, xsh)

    out = pl.pallas_call(
        _fin_body,
        grid=(2, _NB),
        in_specs=[
            pl.BlockSpec((_BR, D), lambda p, i: (i, 0)),
            pl.BlockSpec((1, _BR, DH), lambda p, i: (0, i, 0)),
            pl.BlockSpec((1, _BR, DH), lambda p, i: (1, i, 0)),
            pl.BlockSpec((1, _BR, DH), lambda p, i: (0, i, 0)),
            pl.BlockSpec((1, _BR, DH), lambda p, i: (1, i, 0)),
            pl.BlockSpec((_BR, 1), lambda p, i: (i, 0)),
            pl.BlockSpec((1, D), lambda p, i: (0, 0)),
            pl.BlockSpec((1, D), lambda p, i: (0, 0)),
            pl.BlockSpec((1, D), lambda p, i: (0, 0)),
        ],
        out_specs=pl.BlockSpec((_BR, D), lambda p, i: (i, 0)),
        out_shape=jax.ShapeDtypeStruct((N, D), _f32),
        scratch_shapes=[
            pltpu.VMEM((N, D), _f32),
            pltpu.VMEM((1, D), _f32),
            pltpu.VMEM((1, D), _f32),
        ],
    )(x, xsh, xsh, agg, agg, dis, b2, g2, be2)

    return out

# --- scband reference (transcript-rebuilt; emitter-appended) ---
"""Pipeline reference for scband-local-model-10763188043965 (READ-ONLY COPY).

The authoritative reference and input builder live on the scoring server;
editing this copy changes nothing except your own understanding.
"""

import jax, jax.numpy as jnp
import numpy as np

N_NODES = 10000
DIM_H = 128
N_EDGES = 320000


def setup_inputs(seed: int = 0) -> dict:
    key = jax.random.key(seed)
    k1, k2, k3, k4, k5, k6, k7, k8 = jax.random.split(key, 8)
    x = jax.random.normal(k1, (N_NODES, DIM_H), dtype=jnp.float32)
    edge_index = jax.random.randint(k2, (2, N_EDGES), 0, N_NODES, dtype=jnp.int64)
    virt_h = jax.random.normal(k3, (1, DIM_H), dtype=jnp.float32)
    virt_edge_index = jax.random.randint(k4, (2, 16), 0, N_NODES, dtype=jnp.int64)
    # GCNConv parameters: lin weight [out, in] (no bias in lin), separate bias [out]
    W = jax.random.normal(k5, (DIM_H, DIM_H), dtype=jnp.float32) * (1.0 / np.sqrt(DIM_H))
    b = jnp.zeros((DIM_H,), dtype=jnp.float32)
    # BatchNorm1d affine params
    gamma = jnp.ones((DIM_H,), dtype=jnp.float32)
    beta = jnp.zeros((DIM_H,), dtype=jnp.float32)
    return {"x": x, "edge_index": edge_index, "virt_h": virt_h,
            "virt_edge_index": virt_edge_index, "W": W, "b": b,
            "gamma": gamma, "beta": beta}


def _gcn_conv(x, edge_index, W, b):
    # Faithful GCNConv: gcn_norm with add_self_loops=True, then propagate (scatter-add), then bias.
    N = x.shape[0]
    loop = jnp.arange(N, dtype=edge_index.dtype)
    src = jnp.concatenate([edge_index[0], loop])
    dst = jnp.concatenate([edge_index[1], loop])
    ew = jnp.ones(src.shape[0], dtype=x.dtype)
    deg = jnp.zeros((N,), dtype=x.dtype).at[dst].add(ew)
    deg_inv_sqrt = jnp.where(deg > 0, jax.lax.rsqrt(deg), 0.0)
    norm = deg_inv_sqrt[src] * deg_inv_sqrt[dst]
    xw = x @ W.T  # PyG Linear: y = x @ W^T
    msg = xw[src] * norm[:, None]          # gather + scale
    out = jnp.zeros_like(xw).at[dst].add(msg)  # scatter-add aggregation
    return out + b


def reference(x, edge_index, virt_h, virt_edge_index, W, b, gamma, beta):
    h_in1 = x
    h_local = _gcn_conv(x, edge_index, W, b)
    # dropout p=0.0 -> identity
    h_local = h_in1 + h_local
    # BatchNorm1d (training-mode forward, batch statistics, eps=1e-5)
    mean = jnp.mean(h_local, axis=0)
    var = jnp.mean((h_local - mean) ** 2, axis=0)
    h_local = gamma * (h_local - mean) * jax.lax.rsqrt(var + 1e-5) + beta
    return h_local

if __name__ == "__main__":
    import jax
    _d = setup_inputs()
    print(jax.jit(kernel)(*tuple(_d.values())))

</pallas_src>

<mosaic_0001>
#map = affine_map<(d0, d1) -> (0, 0)>
#map1 = affine_map<(d0, d1) -> (0, 0, 0)>
module attributes {stable_mosaic.version = 14 : i64} {
  func.func @_deg_kernel(%arg0: i32, %arg1: i32, %arg2: memref<2688x120xi32, #tpu.memory_space<hbm>>, %arg3: memref<2x10240x16xf32, #tpu.memory_space<hbm>>, %arg4: memref<10240x16xf32, #tpu.memory_space<vmem_shared>>, %arg5: memref<84x120xi32, #tpu.memory_space<vmem>>, %arg6: memref<120x16xf32, #tpu.memory_space<vmem>>, %arg7: memref<640x16xf32, #tpu.memory_space<vmem>>, %arg8: memref<!tpu.dma_semaphore, #tpu.memory_space<semaphore_mem>>) attributes {dimension_semantics = [#tpu.dimension_semantics<core_parallel>, #tpu.dimension_semantics<subcore_parallel>], iteration_bounds = array<i64: 2, 16>, scalar_prefetch = 0 : i64, scratch_operands = 5 : i64, tpu.core_type = #tpu.core_type<sc_vector_subcore>, window_params = [{transform_indices = #map}, {transform_indices = #map1}]} {
    %mul3A = arith.constant 16 : i32
    %mul3A_0 = arith.muli %arg0, %mul3A : i32
    %add3A = arith.addi %mul3A_0, %arg1 : i32
    %scan3A = arith.constant 0 : i32
    %scan3A_1 = arith.constant 0 : i32
    %scan3A_2 = arith.constant 640 : i32
    %scan3A_3 = arith.addi %scan3A_1, %scan3A_2 : i32
    %scan3A_4 = arith.constant 1 : i32
    %scan3A_5 = scf.for %scan3A_30 = %scan3A_1 to %scan3A_3 step %scan3A_4 iter_args(%scan3A_31 = %scan3A) -> (i32)  : i32 {
      %broadcast_in_dim3A = arith.constant 0.000000e+00 : f32
      %broadcast_in_dim3A_32 = vector.broadcast %broadcast_in_dim3A : f32 to vector<16xf32>
      %swap3A = arith.index_cast %scan3A_30 : i32 to index
      %swap3A_33 = arith.constant 0 : index
      %swap3A_34 = tpu.vector_load %arg7[%swap3A, %swap3A_33] {strides = array<i32>} : memref<640x16xf32, #tpu.memory_space<vmem>>, vector<1x16xf32>,
      %swap3A_35 = vector.shape_cast %swap3A_34 : vector<1x16xf32> to vector<16xf32>
      %swap3A_36 = vector.shape_cast %broadcast_in_dim3A_32 : vector<16xf32> to vector<1x16xf32>
      tpu.vector_store %arg7[%swap3A, %swap3A_33], %swap3A_36 {strides = array<i32>} : memref<640x16xf32, #tpu.memory_space<vmem>>, vector<1x16xf32>,
      %scan3A_37 = arith.constant 0 : i32
      scf.yield %scan3A_37 : i32
    }
    %scan3A_6 = arith.constant 640 : i32
    %scan3A_7 = arith.constant 0 : i32
    %scan3A_8 = arith.constant 0 : i32
    %scan3A_9 = arith.constant 120 : i32
    %scan3A_10 = arith.addi %scan3A_8, %scan3A_9 : i32
    %scan3A_11 = arith.constant 1 : i32
    %scan3A_12 = scf.for %scan3A_30 = %scan3A_8 to %scan3A_10 step %scan3A_11 iter_args(%scan3A_31 = %scan3A_7) -> (i32)  : i32 {
      %broadcast_in_dim3A = arith.constant 1.000000e+00 : f32
      %broadcast_in_dim3A_32 = vector.broadcast %broadcast_in_dim3A : f32 to vector<16xf32>
      %swap3A = arith.index_cast %scan3A_30 : i32 to index
      %swap3A_33 = arith.constant 0 : index
      %swap3A_34 = tpu.vector_load %arg6[%swap3A, %swap3A_33] {strides = array<i32>} : memref<120x16xf32, #tpu.memory_space<vmem>>, vector<1x16xf32>,
      %swap3A_35 = vector.shape_cast %swap3A_34 : vector<1x16xf32> to vector<16xf32>
      %swap3A_36 = vector.shape_cast %broadcast_in_dim3A_32 : vector<16xf32> to vector<1x16xf32>
      tpu.vector_store %arg6[%swap3A, %swap3A_33], %swap3A_36 {strides = array<i32>} : memref<120x16xf32, #tpu.memory_space<vmem>>, vector<1x16xf32>,
      %scan3A_37 = arith.constant 0 : i32
      scf.yield %scan3A_37 : i32
    }
    %scan3A_13 = arith.constant 120 : i32
    %mul3A_14 = arith.constant 84 : i32
    %mul3A_15 = arith.muli %add3A, %mul3A_14 : i32
    "tpu.region"() ({
      %run_scoped3A = tpu.sem_alloc : memref<!tpu.dma_semaphore, #tpu.memory_space<semaphore_mem>>
      %dma_start3A = arith.constant 0 : i32
      %dma_start3A_30 = tpu.memref_slice %arg2[%mul3A_15, %dma_start3A] : memref<2688x120xi32, #tpu.memory_space<hbm>> -> memref<84x120xi32, #tpu.memory_space<hbm>>
      %dma_start3A_31 = arith.constant 0 : i32
      %dma_start3A_32 = tpu.memref_slice %arg2[%mul3A_15, %dma_start3A_31] : memref<2688x120xi32, #tpu.memory_space<hbm>> -> memref<84x120xi32, #tpu.memory_space<hbm>>
      tpu.enqueue_dma source(%dma_start3A_32 : memref<84x120xi32, #tpu.memory_space<hbm>>) target(%arg5 : memref<84x120xi32, #tpu.memory_space<vmem>>) target_semaphore(%run_scoped3A : memref<!tpu.dma_semaphore, #tpu.memory_space<semaphore_mem>>)
      %dma_wait3A = arith.constant 0 : i32
      %dma_wait3A_33 = tpu.memref_slice %arg2[%mul3A_15, %dma_wait3A] : memref<2688x120xi32, #tpu.memory_space<hbm>> -> memref<84x120xi32, #tpu.memory_space<hbm>>
      %dma_wait3A_34 = arith.constant 0 : i32
      %dma_wait3A_35 = tpu.memref_slice %arg2[%mul3A_15, %dma_wait3A_34] : memref<2688x120xi32, #tpu.memory_space<hbm>> -> memref<84x120xi32, #tpu.memory_space<hbm>>
      tpu.wait_dma2 semaphore(%run_scoped3A : memref<!tpu.dma_semaphore, #tpu.memory_space<semaphore_mem>>) src(%dma_wait3A_35 : memref<84x120xi32, #tpu.memory_space<hbm>>) dst(%arg5 : memref<84x120xi32, #tpu.memory_space<vmem>>)
      tpu.yield
    }) : () -> ()
    %mul3A_16 = arith.constant 640 : i32
    %mul3A_17 = arith.muli %arg1, %mul3A_16 : i32
    "tpu.region"() ({
      %run_scoped3A = tpu.sem_alloc : memref<!tpu.dma_semaphore, #tpu.memory_space<semaphore_mem>>
      %dma_start3A = arith.constant 0 : i32
      %dma_start3A_30 = tpu.memref_slice %arg4[%mul3A_17, %dma_start3A] : memref<10240x16xf32, #tpu.memory_space<vmem_shared>> -> memref<640x16xf32, #tpu.memory_space<vmem_shared>>
      %dma_start3A_31 = arith.constant 0 : i32
      %dma_start3A_32 = tpu.memref_slice %arg4[%mul3A_17, %dma_start3A_31] : memref<10240x16xf32, #tpu.memory_space<vmem_shared>> -> memref<640x16xf32, #tpu.memory_space<vmem_shared>>
      tpu.enqueue_dma source(%arg7 : memref<640x16xf32, #tpu.memory_space<vmem>>) target(%dma_start3A_32 : memref<640x16xf32, #tpu.memory_space<vmem_shared>>) target_semaphore(%run_scoped3A : memref<!tpu.dma_semaphore, #tpu.memory_space<semaphore_mem>>)
      %dma_wait3A = arith.constant 0 : i32
      %dma_wait3A_33 = tpu.memref_slice %arg4[%mul3A_17, %dma_wait3A] : memref<10240x16xf32, #tpu.memory_space<vmem_shared>> -> memref<640x16xf32, #tpu.memory_space<vmem_shared>>
      %dma_wait3A_34 = arith.constant 0 : i32
      %dma_wait3A_35 = tpu.memref_slice %arg4[%mul3A_17, %dma_wait3A_34] : memref<10240x16xf32, #tpu.memory_space<vmem_shared>> -> memref<640x16xf32, #tpu.memory_space<vmem_shared>>
      tpu.wait_dma2 semaphore(%run_scoped3A : memref<!tpu.dma_semaphore, #tpu.memory_space<semaphore_mem>>) src(%arg7 : memref<640x16xf32, #tpu.memory_space<vmem>>) dst(%dma_wait3A_35 : memref<640x16xf32, #tpu.memory_space<vmem_shared>>)
      tpu.yield
    }) : () -> ()
    %barrier3A = arith.constant 0 : index
    tpu.barrier barrier_id(%barrier3A)
    %scan3A_18 = arith.constant 0 : i32
    %scan3A_19 = arith.constant 0 : i32
    %scan3A_20 = arith.constant 42 : i32
    %scan3A_21 = arith.addi %scan3A_19, %scan3A_20 : i32
    %scan3A_22 = arith.constant 1 : i32
    %scan3A_23 = scf.for %scan3A_30 = %scan3A_19 to %scan3A_21 step %scan3A_22 iter_args(%scan3A_31 = %scan3A_18) -> (i32)  : i32 {
      %mul3A_32 = arith.constant 2 : i32
      %mul3A_33 = arith.muli %scan3A_30, %mul3A_32 : i32
      %dma_start3A = arith.constant 0 : i32
      %dma_start3A_34 = tpu.memref_slice %arg5[%mul3A_33, %dma_start3A] : memref<84x120xi32, #tpu.memory_space<vmem>> -> memref<1x120xi32, #tpu.memory_space<vmem>>
      %dma_start3A_35 = tpu.memref_squeeze %dma_start3A_34 : memref<1x120xi32, #tpu.memory_space<vmem>> -> memref<120xi32, #tpu.memory_space<vmem>>
      %dma_start3A_36 = arith.constant 0 : i32
      %dma_start3A_37 = arith.constant 0 : i32
      %dma_start3A_38 = tpu.memref_slice %arg4[%dma_start3A_36, %dma_start3A_37] : memref<10240x16xf32, #tpu.memory_space<vmem_shared>> -> memref<10240x16xf32, #tpu.memory_space<vmem_shared>>
      tpu.enqueue_indirect_dma source(%arg6 : memref<120x16xf32, #tpu.memory_space<vmem>>) target(%dma_start3A_38 : memref<10240x16xf32, #tpu.memory_space<vmem_shared>>) offsets(%dma_start3A_35 : memref<120xi32, #tpu.memory_space<vmem>>) semaphore(%arg8 : memref<!tpu.dma_semaphore, #tpu.memory_space<semaphore_mem>>) {add = true}
      %mul3A_39 = arith.constant 2 : i32
      %mul3A_40 = arith.muli %scan3A_30, %mul3A_39 : i32
      %add3A_41 = arith.constant 1 : i32
      %add3A_42 = arith.addi %mul3A_40, %add3A_41 : i32
      %dma_start3A_43 = arith.constant 0 : i32
      %dma_start3A_44 = tpu.memref_slice %arg5[%add3A_42, %dma_start3A_43] : memref<84x120xi32, #tpu.memory_space<vmem>> -> memref<1x120xi32, #tpu.memory_space<vmem>>
      %dma_start3A_45 = tpu.memref_squeeze %dma_start3A_44 : memref<1x120xi32, #tpu.memory_space<vmem>> -> memref<120xi32, #tpu.memory_space<vmem>>
      %dma_start3A_46 = arith.constant 0 : i32
      %dma_start3A_47 = arith.constant 0 : i32
      %dma_start3A_48 = tpu.memref_slice %arg4[%dma_start3A_46, %dma_start3A_47] : memref<10240x16xf32, #tpu.memory_space<vmem_shared>> -> memref<10240x16xf32, #tpu.memory_space<vmem_shared>>
      tpu.enqueue_indirect_dma source(%arg6 : memref<120x16xf32, #tpu.memory_space<vmem>>) target(%dma_start3A_48 : memref<10240x16xf32, #tpu.memory_space<vmem_shared>>) offsets(%dma_start3A_45 : memref<120xi32, #tpu.memory_space<vmem>>) semaphore(%arg8 : memref<!tpu.dma_semaphore, #tpu.memory_space<semaphore_mem>>) {add = true}
      %dma_wait3A = arith.constant 0 : i32
      %dma_wait3A_49 = tpu.memref_slice %arg5[%mul3A_33, %dma_wait3A] : memref<84x120xi32, #tpu.memory_space<vmem>> -> memref<1x120xi32, #tpu.memory_space<vmem>>
      %dma_wait3A_50 = tpu.memref_squeeze %dma_wait3A_49 : memref<1x120xi32, #tpu.memory_space<vmem>> -> memref<120xi32, #tpu.memory_space<vmem>>
      %dma_wait3A_51 = arith.constant 0 : i32
      %dma_wait3A_52 = arith.constant 0 : i32
      %dma_wait3A_53 = tpu.memref_slice %arg4[%dma_wait3A_51, %dma_wait3A_52] : memref<10240x16xf32, #tpu.memory_space<vmem_shared>> -> memref<10240x16xf32, #tpu.memory_space<vmem_shared>>
      tpu.wait_indirect_dma semaphore(%arg8 : memref<!tpu.dma_semaphore, #tpu.memory_space<semaphore_mem>>) src(%arg6 : memref<120x16xf32, #tpu.memory_space<vmem>>) dst(%dma_wait3A_53 : memref<10240x16xf32, #tpu.memory_space<vmem_shared>>)
      %dma_wait3A_54 = arith.constant 0 : i32
      %dma_wait3A_55 = tpu.memref_slice %arg5[%add3A_42, %dma_wait3A_54] : memref<84x120xi32, #tpu.memory_space<vmem>> -> memref<1x120xi32, #tpu.memory_space<vmem>>
      %dma_wait3A_56 = tpu.memref_squeeze %dma_wait3A_55 : memref<1x120xi32, #tpu.memory_space<vmem>> -> memref<120xi32, #tpu.memory_space<vmem>>
      %dma_wait3A_57 = arith.constant 0 : i32
      %dma_wait3A_58 = arith.constant 0 : i32
      %dma_wait3A_59 = tpu.memref_slice %arg4[%dma_wait3A_57, %dma_wait3A_58] : memref<10240x16xf32, #tpu.memory_space<vmem_shared>> -> memref<10240x16xf32, #tpu.memory_space<vmem_shared>>
      tpu.wait_indirect_dma semaphore(%arg8 : memref<!tpu.dma_semaphore, #tpu.memory_space<semaphore_mem>>) src(%arg6 : memref<120x16xf32, #tpu.memory_space<vmem>>) dst(%dma_wait3A_59 : memref<10240x16xf32, #tpu.memory_space<vmem_shared>>)
      %scan3A_60 = arith.constant 0 : i32
      scf.yield %scan3A_60 : i32
    }
    %scan3A_24 = arith.constant 42 : i32
    %barrier3A_25 = arith.constant 0 : index
    tpu.barrier barrier_id(%barrier3A_25)
    %mul3A_26 = arith.constant 640 : i32
    %mul3A_27 = arith.muli %arg1, %mul3A_26 : i32
    %mul3A_28 = arith.constant 640 : i32
    %mul3A_29 = arith.muli %arg1, %mul3A_28 : i32
    "tpu.region"() ({
      %run_scoped3A = tpu.sem_alloc : memref<!tpu.dma_semaphore, #tpu.memory_space<semaphore_mem>>
      %dma_start3A = arith.constant 0 : i32
      %dma_start3A_30 = tpu.memref_slice %arg3[%arg0, %mul3A_29, %dma_start3A] : memref<2x10240x16xf32, #tpu.memory_space<hbm>> -> memref<1x640x16xf32, #tpu.memory_space<hbm>>
      %dma_start3A_31 = tpu.memref_squeeze %dma_start3A_30 : memref<1x640x16xf32, #tpu.memory_space<hbm>> -> memref<640x16xf32, #tpu.memory_space<hbm>>
      %dma_start3A_32 = arith.constant 0 : i32
      %dma_start3A_33 = tpu.memref_slice %arg4[%mul3A_27, %dma_start3A_32] : memref<10240x16xf32, #tpu.memory_space<vmem_shared>> -> memref<640x16xf32, #tpu.memory_space<vmem_shared>>
      tpu.enqueue_dma source(%dma_start3A_33 : memref<640x16xf32, #tpu.memory_space<vmem_shared>>) target(%dma_start3A_31 : memref<640x16xf32, #tpu.memory_space<hbm>>) target_semaphore(%run_scoped3A : memref<!tpu.dma_semaphore, #tpu.memory_space<semaphore_mem>>)
      %dma_wait3A = arith.constant 0 : i32
      %dma_wait3A_34 = tpu.memref_slice %arg3[%arg0, %mul3A_29, %dma_wait3A] : memref<2x10240x16xf32, #tpu.memory_space<hbm>> -> memref<1x640x16xf32, #tpu.memory_space<hbm>>
      %dma_wait3A_35 = tpu.memref_squeeze %dma_wait3A_34 : memref<1x640x16xf32, #tpu.memory_space<hbm>> -> memref<640x16xf32, #tpu.memory_space<hbm>>
      %dma_wait3A_36 = arith.constant 0 : i32
      %dma_wait3A_37 = tpu.memref_slice %arg4[%mul3A_27, %dma_wait3A_36] : memref<10240x16xf32, #tpu.memory_space<vmem_shared>> -> memref<640x16xf32, #tpu.memory_space<vmem_shared>>
      tpu.wait_dma2 semaphore(%run_scoped3A : memref<!tpu.dma_semaphore, #tpu.memory_space<semaphore_mem>>) src(%dma_wait3A_37 : memref<640x16xf32, #tpu.memory_space<vmem_shared>>) dst(%dma_wait3A_35 : memref<640x16xf32, #tpu.memory_space<hbm>>)
      tpu.yield
    }) : () -> ()
    return
  }
}

#map = affine_map<(d0, d1) -> (0, 0)>
#map1 = affine_map<(d0, d1) -> (0, 0, 0)>
module attributes {stable_mosaic.version = 14 : i64} {
  func.func @_agg_kernel(%arg0: i32, %arg1: i32, %arg2: memref<2672x120xi32, #tpu.memory_space<hbm>>, %arg3: memref<2672x120xi32, #tpu.memory_space<hbm>>, %arg4: memref<2x10000x64xf32, #tpu.memory_space<hbm>>, %arg5: memref<2x10240x64xf32, #tpu.memory_space<hbm>>, %arg6: memref<10240x64xf32, #tpu.memory_space<vmem_shared>>, %arg7: memref<167x120xi32, #tpu.memory_space<vmem>>, %arg8: memref<167x120xi32, #tpu.memory_space<vmem>>, %arg9: memref<120x64xf32, #tpu.memory_space<vmem>>, %arg10: memref<120x64xf32, #tpu.memory_space<vmem>>, %arg11: memref<160x64xf32, #tpu.memory_space<vmem>>, %arg12: memref<!tpu.dma_semaphore, #tpu.memory_space<semaphore_mem>>, %arg13: memref<!tpu.dma_semaphore, #tpu.memory_space<semaphore_mem>>) attributes {dimension_semantics = [#tpu.dimension_semantics<core_parallel>, #tpu.dimension_semantics<subcore_parallel>], iteration_bounds = array<i64: 2, 16>, scalar_prefetch = 0 : i64, scratch_operands = 8 : i64, tpu.core_type = #tpu.core_type<sc_vector_subcore>, window_params = [{transform_indices = #map}, {transform_indices = #map}, {transform_indices = #map1}, {transform_indices = #map1}]} {
    %scan3A = arith.constant 0 : i32
    %scan3A_0 = arith.constant 0 : i32
    %scan3A_1 = arith.constant 160 : i32
    %scan3A_2 = arith.addi %scan3A_0, %scan3A_1 : i32
    %scan3A_3 = arith.constant 1 : i32
    %scan3A_4 = scf.for %scan3A_70 = %scan3A_0 to %scan3A_2 step %scan3A_3 iter_args(%scan3A_71 = %scan3A) -> (i32)  : i32 {
      %broadcast_in_dim3A = arith.constant 0.000000e+00 : f32
      %broadcast_in_dim3A_72 = vector.broadcast %broadcast_in_dim3A : f32 to vector<16xf32>
      %swap3A = arith.index_cast %scan3A_70 : i32 to index
      %swap3A_73 = arith.constant 0 : index
      %swap3A_74 = tpu.vector_load %arg11[%swap3A, %swap3A_73] {strides = array<i32>} : memref<160x64xf32, #tpu.memory_space<vmem>>, vector<1x16xf32>,
      %swap3A_75 = vector.shape_cast %swap3A_74 : vector<1x16xf32> to vector<16xf32>
      %swap3A_76 = vector.shape_cast %broadcast_in_dim3A_72 : vector<16xf32> to vector<1x16xf32>
      tpu.vector_store %arg11[%swap3A, %swap3A_73], %swap3A_76 {strides = array<i32>} : memref<160x64xf32, #tpu.memory_space<vmem>>, vector<1x16xf32>,
      %broadcast_in_dim3A_77 = arith.constant 0.000000e+00 : f32
      %broadcast_in_dim3A_78 = vector.broadcast %broadcast_in_dim3A_77 : f32 to vector<16xf32>
      %swap3A_79 = arith.index_cast %scan3A_70 : i32 to index
      %swap3A_80 = arith.constant 16 : index
      %swap3A_81 = tpu.vector_load %arg11[%swap3A_79, %swap3A_80] {strides = array<i32>} : memref<160x64xf32, #tpu.memory_space<vmem>>, vector<1x16xf32>,
      %swap3A_82 = vector.shape_cast %swap3A_81 : vector<1x16xf32> to vector<16xf32>
      %swap3A_83 = vector.shape_cast %broadcast_in_dim3A_78 : vector<16xf32> to vector<1x16xf32>
      tpu.vector_store %arg11[%swap3A_79, %swap3A_80], %swap3A_83 {strides = array<i32>} : memref<160x64xf32, #tpu.memory_space<vmem>>, vector<1x16xf32>,
      %broadcast_in_dim3A_84 = arith.constant 0.000000e+00 : f32
      %broadcast_in_dim3A_85 = vector.broadcast %broadcast_in_dim3A_84 : f32 to vector<16xf32>
      %swap3A_86 = arith.index_cast %scan3A_70 : i32 to index
      %swap3A_87 = arith.constant 32 : index
      %swap3A_88 = tpu.vector_load %arg11[%swap3A_86, %swap3A_87] {strides = array<i32>} : memref<160x64xf32, #tpu.memory_space<vmem>>, vector<1x16xf32>,
      %swap3A_89 = vector.shape_cast %swap3A_88 : vector<1x16xf32> to vector<16xf32>
      %swap3A_90 = vector.shape_cast %broadcast_in_dim3A_85 : vector<16xf32> to vector<1x16xf32>
      tpu.vector_store %arg11[%swap3A_86, %swap3A_87], %swap3A_90 {strides = array<i32>} : memref<160x64xf32, #tpu.memory_space<vmem>>, vector<1x16xf32>,
      %broadcast_in_dim3A_91 = arith.constant 0.000000e+00 : f32
      %broadcast_in_dim3A_92 = vector.broadcast %broadcast_in_dim3A_91 : f32 to vector<16xf32>
      %swap3A_93 = arith.index_cast %scan3A_70 : i32 to index
      %swap3A_94 = arith.constant 48 : index
      %swap3A_95 = tpu.vector_load %arg11[%swap3A_93, %swap3A_94] {strides = array<i32>} : memref<160x64xf32, #tpu.memory_space<vmem>>, vector<1x16xf32>,
      %swap3A_96 = vector.shape_cast %swap3A_95 : vector<1x16xf32> to vector<16xf32>
      %swap3A_97 = vector.shape_cast %broadcast_in_dim3A_92 : vector<16xf32> to vector<1x16xf32>
      tpu.vector_store %arg11[%swap3A_93, %swap3A_94], %swap3A_97 {strides = array<i32>} : memref<160x64xf32, #tpu.memory_space<vmem>>, vector<1x16xf32>,
      %scan3A_98 = arith.constant 0 : i32
      scf.yield %scan3A_98 : i32
    }
    %scan3A_5 = arith.constant 160 : i32
    %mul3A = arith.constant 640 : i32
    %mul3A_6 = arith.muli %arg1, %mul3A : i32
    %add3A = arith.constant 0 : i32
    %add3A_7 = arith.addi %mul3A_6, %add3A : i32
    "tpu.region"() ({
      %run_scoped3A = tpu.sem_alloc : memref<!tpu.dma_semaphore, #tpu.memory_space<semaphore_mem>>
      %dma_start3A_70 = arith.constant 0 : i32
      %dma_start3A_71 = tpu.memref_slice %arg6[%add3A_7, %dma_start3A_70] : memref<10240x64xf32, #tpu.memory_space<vmem_shared>> -> memref<160x64xf32, #tpu.memory_space<vmem_shared>>
      %dma_start3A_72 = arith.constant 0 : i32
      %dma_start3A_73 = tpu.memref_slice %arg6[%add3A_7, %dma_start3A_72] : memref<10240x64xf32, #tpu.memory_space<vmem_shared>> -> memref<160x64xf32, #tpu.memory_space<vmem_shared>>
      tpu.enqueue_dma source(%arg11 : memref<160x64xf32, #tpu.memory_space<vmem>>) target(%dma_start3A_73 : memref<160x64xf32, #tpu.memory_space<vmem_shared>>) target_semaphore(%run_scoped3A : memref<!tpu.dma_semaphore, #tpu.memory_space<semaphore_mem>>)
      %dma_wait3A_74 = arith.constant 0 : i32
      %dma_wait3A_75 = tpu.memref_slice %arg6[%add3A_7, %dma_wait3A_74] : memref<10240x64xf32, #tpu.memory_space<vmem_shared>> -> memref<160x64xf32, #tpu.memory_space<vmem_shared>>
      %dma_wait3A_76 = arith.constant 0 : i32
      %dma_wait3A_77 = tpu.memref_slice %arg6[%add3A_7, %dma_wait3A_76] : memref<10240x64xf32, #tpu.memory_space<vmem_shared>> -> memref<160x64xf32, #tpu.memory_space<vmem_shared>>
      tpu.wait_dma2 semaphore(%run_scoped3A : memref<!tpu.dma_semaphore, #tpu.memory_space<semaphore_mem>>) src(%arg11 : memref<160x64xf32, #tpu.memory_space<vmem>>) dst(%dma_wait3A_77 : memref<160x64xf32, #tpu.memory_space<vmem_shared>>)
      tpu.yield
    }) : () -> ()
    %mul3A_8 = arith.constant 640 : i32
    %mul3A_9 = arith.muli %arg1, %mul3A_8 : i32
    %add3A_10 = arith.constant 160 : i32
    %add3A_11 = arith.addi %mul3A_9, %add3A_10 : i32
    "tpu.region"() ({
      %run_scoped3A = tpu.sem_alloc : memref<!tpu.dma_semaphore, #tpu.memory_space<semaphore_mem>>
      %dma_start3A_70 = arith.constant 0 : i32
      %dma_start3A_71 = tpu.memref_slice %arg6[%add3A_11, %dma_start3A_70] : memref<10240x64xf32, #tpu.memory_space<vmem_shared>> -> memref<160x64xf32, #tpu.memory_space<vmem_shared>>
      %dma_start3A_72 = arith.constant 0 : i32
      %dma_start3A_73 = tpu.memref_slice %arg6[%add3A_11, %dma_start3A_72] : memref<10240x64xf32, #tpu.memory_space<vmem_shared>> -> memref<160x64xf32, #tpu.memory_space<vmem_shared>>
      tpu.enqueue_dma source(%arg11 : memref<160x64xf32, #tpu.memory_space<vmem>>) target(%dma_start3A_73 : memref<160x64xf32, #tpu.memory_space<vmem_shared>>) target_semaphore(%run_scoped3A : memref<!tpu.dma_semaphore, #tpu.memory_space<semaphore_mem>>)
      %dma_wait3A_74 = arith.constant 0 : i32
      %dma_wait3A_75 = tpu.memref_slice %arg6[%add3A_11, %dma_wait3A_74] : memref<10240x64xf32, #tpu.memory_space<vmem_shared>> -> memref<160x64xf32, #tpu.memory_space<vmem_shared>>
      %dma_wait3A_76 = arith.constant 0 : i32
      %dma_wait3A_77 = tpu.memref_slice %arg6[%add3A_11, %dma_wait3A_76] : memref<10240x64xf32, #tpu.memory_space<vmem_shared>> -> memref<160x64xf32, #tpu.memory_space<vmem_shared>>
      tpu.wait_dma2 semaphore(%run_scoped3A : memref<!tpu.dma_semaphore, #tpu.memory_space<semaphore_mem>>) src(%arg11 : memref<160x64xf32, #tpu.memory_space<vmem>>) dst(%dma_wait3A_77 : memref<160x64xf32, #tpu.memory_space<vmem_shared>>)
      tpu.yield
    }) : () -> ()
    %mul3A_12 = arith.constant 640 : i32
    %mul3A_13 = arith.muli %arg1, %mul3A_12 : i32
    %add3A_14 = arith.constant 320 : i32
    %add3A_15 = arith.addi %mul3A_13, %add3A_14 : i32
    "tpu.region"() ({
      %run_scoped3A = tpu.sem_alloc : memref<!tpu.dma_semaphore, #tpu.memory_space<semaphore_mem>>
      %dma_start3A_70 = arith.constant 0 : i32
      %dma_start3A_71 = tpu.memref_slice %arg6[%add3A_15, %dma_start3A_70] : memref<10240x64xf32, #tpu.memory_space<vmem_shared>> -> memref<160x64xf32, #tpu.memory_space<vmem_shared>>
      %dma_start3A_72 = arith.constant 0 : i32
      %dma_start3A_73 = tpu.memref_slice %arg6[%add3A_15, %dma_start3A_72] : memref<10240x64xf32, #tpu.memory_space<vmem_shared>> -> memref<160x64xf32, #tpu.memory_space<vmem_shared>>
      tpu.enqueue_dma source(%arg11 : memref<160x64xf32, #tpu.memory_space<vmem>>) target(%dma_start3A_73 : memref<160x64xf32, #tpu.memory_space<vmem_shared>>) target_semaphore(%run_scoped3A : memref<!tpu.dma_semaphore, #tpu.memory_space<semaphore_mem>>)
      %dma_wait3A_74 = arith.constant 0 : i32
      %dma_wait3A_75 = tpu.memref_slice %arg6[%add3A_15, %dma_wait3A_74] : memref<10240x64xf32, #tpu.memory_space<vmem_shared>> -> memref<160x64xf32, #tpu.memory_space<vmem_shared>>
      %dma_wait3A_76 = arith.constant 0 : i32
      %dma_wait3A_77 = tpu.memref_slice %arg6[%add3A_15, %dma_wait3A_76] : memref<10240x64xf32, #tpu.memory_space<vmem_shared>> -> memref<160x64xf32, #tpu.memory_space<vmem_shared>>
      tpu.wait_dma2 semaphore(%run_scoped3A : memref<!tpu.dma_semaphore, #tpu.memory_space<semaphore_mem>>) src(%arg11 : memref<160x64xf32, #tpu.memory_space<vmem>>) dst(%dma_wait3A_77 : memref<160x64xf32, #tpu.memory_space<vmem_shared>>)
      tpu.yield
    }) : () -> ()
    %mul3A_16 = arith.constant 640 : i32
    %mul3A_17 = arith.muli %arg1, %mul3A_16 : i32
    %add3A_18 = arith.constant 480 : i32
    %add3A_19 = arith.addi %mul3A_17, %add3A_18 : i32
    "tpu.region"() ({
      %run_scoped3A = tpu.sem_alloc : memref<!tpu.dma_semaphore, #tpu.memory_space<semaphore_mem>>
      %dma_start3A_70 = arith.constant 0 : i32
      %dma_start3A_71 = tpu.memref_slice %arg6[%add3A_19, %dma_start3A_70] : memref<10240x64xf32, #tpu.memory_space<vmem_shared>> -> memref<160x64xf32, #tpu.memory_space<vmem_shared>>
      %dma_start3A_72 = arith.constant 0 : i32
      %dma_start3A_73 = tpu.memref_slice %arg6[%add3A_19, %dma_start3A_72] : memref<10240x64xf32, #tpu.memory_space<vmem_shared>> -> memref<160x64xf32, #tpu.memory_space<vmem_shared>>
      tpu.enqueue_dma source(%arg11 : memref<160x64xf32, #tpu.memory_space<vmem>>) target(%dma_start3A_73 : memref<160x64xf32, #tpu.memory_space<vmem_shared>>) target_semaphore(%run_scoped3A : memref<!tpu.dma_semaphore, #tpu.memory_space<semaphore_mem>>)
      %dma_wait3A_74 = arith.constant 0 : i32
      %dma_wait3A_75 = tpu.memref_slice %arg6[%add3A_19, %dma_wait3A_74] : memref<10240x64xf32, #tpu.memory_space<vmem_shared>> -> memref<160x64xf32, #tpu.memory_space<vmem_shared>>
      %dma_wait3A_76 = arith.constant 0 : i32
      %dma_wait3A_77 = tpu.memref_slice %arg6[%add3A_19, %dma_wait3A_76] : memref<10240x64xf32, #tpu.memory_space<vmem_shared>> -> memref<160x64xf32, #tpu.memory_space<vmem_shared>>
      tpu.wait_dma2 semaphore(%run_scoped3A : memref<!tpu.dma_semaphore, #tpu.memory_space<semaphore_mem>>) src(%arg11 : memref<160x64xf32, #tpu.memory_space<vmem>>) dst(%dma_wait3A_77 : memref<160x64xf32, #tpu.memory_space<vmem_shared>>)
      tpu.yield
    }) : () -> ()
    %mul3A_20 = arith.constant 167 : i32
    %mul3A_21 = arith.muli %arg1, %mul3A_20 : i32
    "tpu.region"() ({
      %run_scoped3A = tpu.sem_alloc : memref<!tpu.dma_semaphore, #tpu.memory_space<semaphore_mem>>
      %dma_start3A_70 = arith.constant 0 : i32
      %dma_start3A_71 = tpu.memref_slice %arg2[%mul3A_21, %dma_start3A_70] : memref<2672x120xi32, #tpu.memory_space<hbm>> -> memref<167x120xi32, #tpu.memory_space<hbm>>
      %dma_start3A_72 = arith.constant 0 : i32
      %dma_start3A_73 = tpu.memref_slice %arg2[%mul3A_21, %dma_start3A_72] : memref<2672x120xi32, #tpu.memory_space<hbm>> -> memref<167x120xi32, #tpu.memory_space<hbm>>
      tpu.enqueue_dma source(%dma_start3A_73 : memref<167x120xi32, #tpu.memory_space<hbm>>) target(%arg7 : memref<167x120xi32, #tpu.memory_space<vmem>>) target_semaphore(%run_scoped3A : memref<!tpu.dma_semaphore, #tpu.memory_space<semaphore_mem>>)
      %dma_wait3A_74 = arith.constant 0 : i32
      %dma_wait3A_75 = tpu.memref_slice %arg2[%mul3A_21, %dma_wait3A_74] : memref<2672x120xi32, #tpu.memory_space<hbm>> -> memref<167x120xi32, #tpu.memory_space<hbm>>
      %dma_wait3A_76 = arith.constant 0 : i32
      %dma_wait3A_77 = tpu.memref_slice %arg2[%mul3A_21, %dma_wait3A_76] : memref<2672x120xi32, #tpu.memory_space<hbm>> -> memref<167x120xi32, #tpu.memory_space<hbm>>
      tpu.wait_dma2 semaphore(%run_scoped3A : memref<!tpu.dma_semaphore, #tpu.memory_space<semaphore_mem>>) src(%dma_wait3A_77 : memref<167x120xi32, #tpu.memory_space<hbm>>) dst(%arg7 : memref<167x120xi32, #tpu.memory_space<vmem>>)
      tpu.yield
    }) : () -> ()
    %mul3A_22 = arith.constant 167 : i32
    %mul3A_23 = arith.muli %arg1, %mul3A_22 : i32
    "tpu.region"() ({
      %run_scoped3A = tpu.sem_alloc : memref<!tpu.dma_semaphore, #tpu.memory_space<semaphore_mem>>
      %dma_start3A_70 = arith.constant 0 : i32
      %dma_start3A_71 = tpu.memref_slice %arg3[%mul3A_23, %dma_start3A_70] : memref<2672x120xi32, #tpu.memory_space<hbm>> -> memref<167x120xi32, #tpu.memory_space<hbm>>
      %dma_start3A_72 = arith.constant 0 : i32
      %dma_start3A_73 = tpu.memref_slice %arg3[%mul3A_23, %dma_start3A_72] : memref<2672x120xi32, #tpu.memory_space<hbm>> -> memref<167x120xi32, #tpu.memory_space<hbm>>
      tpu.enqueue_dma source(%dma_start3A_73 : memref<167x120xi32, #tpu.memory_space<hbm>>) target(%arg8 : memref<167x120xi32, #tpu.memory_space<vmem>>) target_semaphore(%run_scoped3A : memref<!tpu.dma_semaphore, #tpu.memory_space<semaphore_mem>>)
      %dma_wait3A_74 = arith.constant 0 : i32
      %dma_wait3A_75 = tpu.memref_slice %arg3[%mul3A_23, %dma_wait3A_74] : memref<2672x120xi32, #tpu.memory_space<hbm>> -> memref<167x120xi32, #tpu.memory_space<hbm>>
      %dma_wait3A_76 = arith.constant 0 : i32
      %dma_wait3A_77 = tpu.memref_slice %arg3[%mul3A_23, %dma_wait3A_76] : memref<2672x120xi32, #tpu.memory_space<hbm>> -> memref<167x120xi32, #tpu.memory_space<hbm>>
      tpu.wait_dma2 semaphore(%run_scoped3A : memref<!tpu.dma_semaphore, #tpu.memory_space<semaphore_mem>>) src(%dma_wait3A_77 : memref<167x120xi32, #tpu.memory_space<hbm>>) dst(%arg8 : memref<167x120xi32, #tpu.memory_space<vmem>>)
      tpu.yield
    }) : () -> ()
    %barrier3A = arith.constant 0 : index
    tpu.barrier barrier_id(%barrier3A)
    %scan3A_24 = arith.constant 0 : i32
    %scan3A_25 = arith.constant 0 : i32
    %scan3A_26 = arith.constant 83 : i32
    %scan3A_27 = arith.addi %scan3A_25, %scan3A_26 : i32
    %scan3A_28 = arith.constant 1 : i32
    %scan3A_29 = scf.for %scan3A_70 = %scan3A_25 to %scan3A_27 step %scan3A_28 iter_args(%scan3A_71 = %scan3A_24) -> (i32)  : i32 {
      %mul3A_72 = arith.constant 2 : i32
      %mul3A_73 = arith.muli %scan3A_70, %mul3A_72 : i32
      %dma_start3A_74 = arith.constant 0 : i32
      %dma_start3A_75 = tpu.memref_slice %arg7[%mul3A_73, %dma_start3A_74] : memref<167x120xi32, #tpu.memory_space<vmem>> -> memref<1x120xi32, #tpu.memory_space<vmem>>
      %dma_start3A_76 = tpu.memref_squeeze %dma_start3A_75 : memref<1x120xi32, #tpu.memory_space<vmem>> -> memref<120xi32, #tpu.memory_space<vmem>>
      %dma_start3A_77 = arith.constant 0 : i32
      %dma_start3A_78 = arith.constant 0 : i32
      %dma_start3A_79 = tpu.memref_slice %arg4[%arg0, %dma_start3A_77, %dma_start3A_78] : memref<2x10000x64xf32, #tpu.memory_space<hbm>> -> memref<1x10000x64xf32, #tpu.memory_space<hbm>>
      %dma_start3A_80 = tpu.memref_squeeze %dma_start3A_79 : memref<1x10000x64xf32, #tpu.memory_space<hbm>> -> memref<10000x64xf32, #tpu.memory_space<hbm>>
      %dma_start3A_81 = arith.constant 0 : i32
      %dma_start3A_82 = arith.constant 0 : i32
      %dma_start3A_83 = tpu.memref_slice %dma_start3A_80[%dma_start3A_81, %dma_start3A_82] : memref<10000x64xf32, #tpu.memory_space<hbm>> -> memref<10000x64xf32, #tpu.memory_space<hbm>>
      tpu.enqueue_indirect_dma source(%dma_start3A_83 : memref<10000x64xf32, #tpu.memory_space<hbm>>) target(%arg9 : memref<120x64xf32, #tpu.memory_space<vmem>>) offsets(%dma_start3A_76 : memref<120xi32, #tpu.memory_space<vmem>>) semaphore(%arg12 : memref<!tpu.dma_semaphore, #tpu.memory_space<semaphore_mem>>)
      %add3A_84 = arith.constant 1 : i32
      %add3A_85 = arith.addi %mul3A_73, %add3A_84 : i32
      %dma_start3A_86 = arith.constant 0 : i32
      %dma_start3A_87 = tpu.memref_slice %arg7[%add3A_85, %dma_start3A_86] : memref<167x120xi32, #tpu.memory_space<vmem>> -> memref<1x120xi32, #tpu.memory_space<vmem>>
      %dma_start3A_88 = tpu.memref_squeeze %dma_start3A_87 : memref<1x120xi32, #tpu.memory_space<vmem>> -> memref<120xi32, #tpu.memory_space<vmem>>
      %dma_start3A_89 = arith.constant 0 : i32
      %dma_start3A_90 = arith.constant 0 : i32
      %dma_start3A_91 = tpu.memref_slice %arg4[%arg0, %dma_start3A_89, %dma_start3A_90] : memref<2x10000x64xf32, #tpu.memory_space<hbm>> -> memref<1x10000x64xf32, #tpu.memory_space<hbm>>
      %dma_start3A_92 = tpu.memref_squeeze %dma_start3A_91 : memref<1x10000x64xf32, #tpu.memory_space<hbm>> -> memref<10000x64xf32, #tpu.memory_space<hbm>>
      %dma_start3A_93 = arith.constant 0 : i32
      %dma_start3A_94 = arith.constant 0 : i32
      %dma_start3A_95 = tpu.memref_slice %dma_start3A_92[%dma_start3A_93, %dma_start3A_94] : memref<10000x64xf32, #tpu.memory_space<hbm>> -> memref<10000x64xf32, #tpu.memory_space<hbm>>
      tpu.enqueue_indirect_dma source(%dma_start3A_95 : memref<10000x64xf32, #tpu.memory_space<hbm>>) target(%arg10 : memref<120x64xf32, #tpu.memory_space<vmem>>) offsets(%dma_start3A_88 : memref<120xi32, #tpu.memory_space<vmem>>) semaphore(%arg12 : memref<!tpu.dma_semaphore, #tpu.memory_space<semaphore_mem>>)
      %dma_wait3A_96 = arith.constant 0 : i32
      %dma_wait3A_97 = tpu.memref_slice %arg7[%mul3A_73, %dma_wait3A_96] : memref<167x120xi32, #tpu.memory_space<vmem>> -> memref<1x120xi32, #tpu.memory_space<vmem>>
      %dma_wait3A_98 = tpu.memref_squeeze %dma_wait3A_97 : memref<1x120xi32, #tpu.memory_space<vmem>> -> memref<120xi32, #tpu.memory_space<vmem>>
      %dma_wait3A_99 = arith.constant 0 : i32
      %dma_wait3A_100 = arith.constant 0 : i32
      %dma_wait3A_101 = tpu.memref_slice %arg4[%arg0, %dma_wait3A_99, %dma_wait3A_100] : memref<2x10000x64xf32, #tpu.memory_space<hbm>> -> memref<1x10000x64xf32, #tpu.memory_space<hbm>>
      %dma_wait3A_102 = tpu.memref_squeeze %dma_wait3A_101 : memref<1x10000x64xf32, #tpu.memory_space<hbm>> -> memref<10000x64xf32, #tpu.memory_space<hbm>>
      %dma_wait3A_103 = arith.constant 0 : i32
      %dma_wait3A_104 = arith.constant 0 : i32
      %dma_wait3A_105 = tpu.memref_slice %dma_wait3A_102[%dma_wait3A_103, %dma_wait3A_104] : memref<10000x64xf32, #tpu.memory_space<hbm>> -> memref<10000x64xf32, #tpu.memory_space<hbm>>
      tpu.wait_indirect_dma semaphore(%arg12 : memref<!tpu.dma_semaphore, #tpu.memory_space<semaphore_mem>>) src(%dma_wait3A_105 : memref<10000x64xf32, #tpu.memory_space<hbm>>) dst(%arg9 : memref<120x64xf32, #tpu.memory_space<vmem>>)
      %dma_start3A_106 = arith.constant 0 : i32
      %dma_start3A_107 = tpu.memref_slice %arg8[%mul3A_73, %dma_start3A_106] : memref<167x120xi32, #tpu.memory_space<vmem>> -> memref<1x120xi32, #tpu.memory_space<vmem>>
      %dma_start3A_108 = tpu.memref_squeeze %dma_start3A_107 : memref<1x120xi32, #tpu.memory_space<vmem>> -> memref<120xi32, #tpu.memory_space<vmem>>
      %dma_start3A_109 = arith.constant 0 : i32
      %dma_start3A_110 = arith.constant 0 : i32
      %dma_start3A_111 = tpu.memref_slice %arg6[%dma_start3A_109, %dma_start3A_110] : memref<10240x64xf32, #tpu.memory_space<vmem_shared>> -> memref<10240x64xf32, #tpu.memory_space<vmem_shared>>
      tpu.enqueue_indirect_dma source(%arg9 : memref<120x64xf32, #tpu.memory_space<vmem>>) target(%dma_start3A_111 : memref<10240x64xf32, #tpu.memory_space<vmem_shared>>) offsets(%dma_start3A_108 : memref<120xi32, #tpu.memory_space<vmem>>) semaphore(%arg13 : memref<!tpu.dma_semaphore, #tpu.memory_space<semaphore_mem>>) {add = true}
      %dma_wait3A_112 = arith.constant 0 : i32
      %dma_wait3A_113 = tpu.memref_slice %arg7[%add3A_85, %dma_wait3A_112] : memref<167x120xi32, #tpu.memory_space<vmem>> -> memref<1x120xi32, #tpu.memory_space<vmem>>
      %dma_wait3A_114 = tpu.memref_squeeze %dma_wait3A_113 : memref<1x120xi32, #tpu.memory_space<vmem>> -> memref<120xi32, #tpu.memory_space<vmem>>
      %dma_wait3A_115 = arith.constant 0 : i32
      %dma_wait3A_116 = arith.constant 0 : i32
      %dma_wait3A_117 = tpu.memref_slice %arg4[%arg0, %dma_wait3A_115, %dma_wait3A_116] : memref<2x10000x64xf32, #tpu.memory_space<hbm>> -> memref<1x10000x64xf32, #tpu.memory_space<hbm>>
      %dma_wait3A_118 = tpu.memref_squeeze %dma_wait3A_117 : memref<1x10000x64xf32, #tpu.memory_space<hbm>> -> memref<10000x64xf32, #tpu.memory_space<hbm>>
      %dma_wait3A_119 = arith.constant 0 : i32
      %dma_wait3A_120 = arith.constant 0 : i32
      %dma_wait3A_121 = tpu.memref_slice %dma_wait3A_118[%dma_wait3A_119, %dma_wait3A_120] : memref<10000x64xf32, #tpu.memory_space<hbm>> -> memref<10000x64xf32, #tpu.memory_space<hbm>>
      tpu.wait_indirect_dma semaphore(%arg12 : memref<!tpu.dma_semaphore, #tpu.memory_space<semaphore_mem>>) src(%dma_wait3A_121 : memref<10000x64xf32, #tpu.memory_space<hbm>>) dst(%arg10 : memref<120x64xf32, #tpu.memory_space<vmem>>)
      %add3A_122 = arith.constant 1 : i32
      %add3A_123 = arith.addi %mul3A_73, %add3A_122 : i32
      %dma_start3A_124 = arith.constant 0 : i32
      %dma_start3A_125 = tpu.memref_slice %arg8[%add3A_123, %dma_start3A_124] : memref<167x120xi32, #tpu.memory_space<vmem>> -> memref<1x120xi32, #tpu.memory_space<vmem>>
      %dma_start3A_126 = tpu.memref_squeeze %dma_start3A_125 : memref<1x120xi32, #tpu.memory_space<vmem>> -> memref<120xi32, #tpu.memory_space<vmem>>
      %dma_start3A_127 = arith.constant 0 : i32
      %dma_start3A_128 = arith.constant 0 : i32
      %dma_start3A_129 = tpu.memref_slice %arg6[%dma_start3A_127, %dma_start3A_128] : memref<10240x64xf32, #tpu.memory_space<vmem_shared>> -> memref<10240x64xf32, #tpu.memory_space<vmem_shared>>
      tpu.enqueue_indirect_dma source(%arg10 : memref<120x64xf32, #tpu.memory_space<vmem>>) target(%dma_start3A_129 : memref<10240x64xf32, #tpu.memory_space<vmem_shared>>) offsets(%dma_start3A_126 : memref<120xi32, #tpu.memory_space<vmem>>) semaphore(%arg13 : memref<!tpu.dma_semaphore, #tpu.memory_space<semaphore_mem>>) {add = true}
      %dma_wait3A_130 = arith.constant 0 : i32
      %dma_wait3A_131 = tpu.memref_slice %arg8[%mul3A_73, %dma_wait3A_130] : memref<167x120xi32, #tpu.memory_space<vmem>> -> memref<1x120xi32, #tpu.memory_space<vmem>>
      %dma_wait3A_132 = tpu.memref_squeeze %dma_wait3A_131 : memref<1x120xi32, #tpu.memory_space<vmem>> -> memref<120xi32, #tpu.memory_space<vmem>>
      %dma_wait3A_133 = arith.constant 0 : i32
      %dma_wait3A_134 = arith.constant 0 : i32
      %dma_wait3A_135 = tpu.memref_slice %arg6[%dma_wait3A_133, %dma_wait3A_134] : memref<10240x64xf32, #tpu.memory_space<vmem_shared>> -> memref<10240x64xf32, #tpu.memory_space<vmem_shared>>
      tpu.wait_indirect_dma semaphore(%arg13 : memref<!tpu.dma_semaphore, #tpu.memory_space<semaphore_mem>>) src(%arg9 : memref<120x64xf32, #tpu.memory_space<vmem>>) dst(%dma_wait3A_135 : memref<10240x64xf32, #tpu.memory_space<vmem_shared>>)
      %dma_wait3A_136 = arith.constant 0 : i32
      %dma_wait3A_137 = tpu.memref_slice %arg8[%add3A_123, %dma_wait3A_136] : memref<167x120xi32, #tpu.memory_space<vmem>> -> memref<1x120xi32, #tpu.memory_space<vmem>>
      %dma_wait3A_138 = tpu.memref_squeeze %dma_wait3A_137 : memref<1x120xi32, #tpu.memory_space<vmem>> -> memref<120xi32, #tpu.memory_space<vmem>>
      %dma_wait3A_139 = arith.constant 0 : i32
      %dma_wait3A_140 = arith.constant 0 : i32
      %dma_wait3A_141 = tpu.memref_slice %arg6[%dma_wait3A_139, %dma_wait3A_140] : memref<10240x64xf32, #tpu.memory_space<vmem_shared>> -> memref<10240x64xf32, #tpu.memory_space<vmem_shared>>
      tpu.wait_indirect_dma semaphore(%arg13 : memref<!tpu.dma_semaphore, #tpu.memory_space<semaphore_mem>>) src(%arg10 : memref<120x64xf32, #tpu.memory_space<vmem>>) dst(%dma_wait3A_141 : memref<10240x64xf32, #tpu.memory_space<vmem_shared>>)
      %scan3A_142 = arith.constant 0 : i32
      scf.yield %scan3A_142 : i32
    }
    %scan3A_30 = arith.constant 83 : i32
    %dma_start3A = arith.constant 166 : i32
    %dma_start3A_31 = arith.constant 0 : i32
    %dma_start3A_32 = tpu.memref_slice %arg7[%dma_start3A, %dma_start3A_31] : memref<167x120xi32, #tpu.memory_space<vmem>> -> memref<1x120xi32, #tpu.memory_space<vmem>>
    %dma_start3A_33 = tpu.memref_squeeze %dma_start3A_32 : memref<1x120xi32, #tpu.memory_space<vmem>> -> memref<120xi32, #tpu.memory_space<vmem>>
    %dma_start3A_34 = arith.constant 0 : i32
    %dma_start3A_35 = arith.constant 0 : i32
    %dma_start3A_36 = tpu.memref_slice %arg4[%arg0, %dma_start3A_34, %dma_start3A_35] : memref<2x10000x64xf32, #tpu.memory_space<hbm>> -> memref<1x10000x64xf32, #tpu.memory_space<hbm>>
    %dma_start3A_37 = tpu.memref_squeeze %dma_start3A_36 : memref<1x10000x64xf32, #tpu.memory_space<hbm>> -> memref<10000x64xf32, #tpu.memory_space<hbm>>
    %dma_start3A_38 = arith.constant 0 : i32
    %dma_start3A_39 = arith.constant 0 : i32
    %dma_start3A_40 = tpu.memref_slice %dma_start3A_37[%dma_start3A_38, %dma_start3A_39] : memref<10000x64xf32, #tpu.memory_space<hbm>> -> memref<10000x64xf32, #tpu.memory_space<hbm>>
    tpu.enqueue_indirect_dma source(%dma_start3A_40 : memref<10000x64xf32, #tpu.memory_space<hbm>>) target(%arg9 : memref<120x64xf32, #tpu.memory_space<vmem>>) offsets(%dma_start3A_33 : memref<120xi32, #tpu.memory_space<vmem>>) semaphore(%arg12 : memref<!tpu.dma_semaphore, #tpu.memory_space<semaphore_mem>>)
    %dma_wait3A = arith.constant 166 : i32
    %dma_wait3A_41 = arith.constant 0 : i32
    %dma_wait3A_42 = tpu.memref_slice %arg7[%dma_wait3A, %dma_wait3A_41] : memref<167x120xi32, #tpu.memory_space<vmem>> -> memref<1x120xi32, #tpu.memory_space<vmem>>
    %dma_wait3A_43 = tpu.memref_squeeze %dma_wait3A_42 : memref<1x120xi32, #tpu.memory_space<vmem>> -> memref<120xi32, #tpu.memory_space<vmem>>
    %dma_wait3A_44 = arith.constant 0 : i32
    %dma_wait3A_45 = arith.constant 0 : i32
    %dma_wait3A_46 = tpu.memref_slice %arg4[%arg0, %dma_wait3A_44, %dma_wait3A_45] : memref<2x10000x64xf32, #tpu.memory_space<hbm>> -> memref<1x10000x64xf32, #tpu.memory_space<hbm>>
    %dma_wait3A_47 = tpu.memref_squeeze %dma_wait3A_46 : memref<1x10000x64xf32, #tpu.memory_space<hbm>> -> memref<10000x64xf32, #tpu.memory_space<hbm>>
    %dma_wait3A_48 = arith.constant 0 : i32
    %dma_wait3A_49 = arith.constant 0 : i32
    %dma_wait3A_50 = tpu.memref_slice %dma_wait3A_47[%dma_wait3A_48, %dma_wait3A_49] : memref<10000x64xf32, #tpu.memory_space<hbm>> -> memref<10000x64xf32, #tpu.memory_space<hbm>>
    tpu.wait_indirect_dma semaphore(%arg12 : memref<!tpu.dma_semaphore, #tpu.memory_space<semaphore_mem>>) src(%dma_wait3A_50 : memref<10000x64xf32, #tpu.memory_space<hbm>>) dst(%arg9 : memref<120x64xf32, #tpu.memory_space<vmem>>)
    %dma_start3A_51 = arith.constant 166 : i32
    %dma_start3A_52 = arith.constant 0 : i32
    %dma_start3A_53 = tpu.memref_slice %arg8[%dma_start3A_51, %dma_start3A_52] : memref<167x120xi32, #tpu.memory_space<vmem>> -> memref<1x120xi32, #tpu.memory_space<vmem>>
    %dma_start3A_54 = tpu.memref_squeeze %dma_start3A_53 : memref<1x120xi32, #tpu.memory_space<vmem>> -> memref<120xi32, #tpu.memory_space<vmem>>
    %dma_start3A_55 = arith.constant 0 : i32
    %dma_start3A_56 = arith.constant 0 : i32
    %dma_start3A_57 = tpu.memref_slice %arg6[%dma_start3A_55, %dma_start3A_56] : memref<10240x64xf32, #tpu.memory_space<vmem_shared>> -> memref<10240x64xf32, #tpu.memory_space<vmem_shared>>
    tpu.enqueue_indirect_dma source(%arg9 : memref<120x64xf32, #tpu.memory_space<vmem>>) target(%dma_start3A_57 : memref<10240x64xf32, #tpu.memory_space<vmem_shared>>) offsets(%dma_start3A_54 : memref<120xi32, #tpu.memory_space<vmem>>) semaphore(%arg13 : memref<!tpu.dma_semaphore, #tpu.memory_space<semaphore_mem>>) {add = true}
    %dma_wait3A_58 = arith.constant 166 : i32
    %dma_wait3A_59 = arith.constant 0 : i32
    %dma_wait3A_60 = tpu.memref_slice %arg8[%dma_wait3A_58, %dma_wait3A_59] : memref<167x120xi32, #tpu.memory_space<vmem>> -> memref<1x120xi32, #tpu.memory_space<vmem>>
    %dma_wait3A_61 = tpu.memref_squeeze %dma_wait3A_60 : memref<1x120xi32, #tpu.memory_space<vmem>> -> memref<120xi32, #tpu.memory_space<vmem>>
    %dma_wait3A_62 = arith.constant 0 : i32
    %dma_wait3A_63 = arith.constant 0 : i32
    %dma_wait3A_64 = tpu.memref_slice %arg6[%dma_wait3A_62, %dma_wait3A_63] : memref<10240x64xf32, #tpu.memory_space<vmem_shared>> -> memref<10240x64xf32, #tpu.memory_space<vmem_shared>>
    tpu.wait_indirect_dma semaphore(%arg13 : memref<!tpu.dma_semaphore, #tpu.memory_space<semaphore_mem>>) src(%arg9 : memref<120x64xf32, #tpu.memory_space<vmem>>) dst(%dma_wait3A_64 : memref<10240x64xf32, #tpu.memory_space<vmem_shared>>)
    %barrier3A_65 = arith.constant 0 : index
    tpu.barrier barrier_id(%barrier3A_65)
    %mul3A_66 = arith.constant 640 : i32
    %mul3A_67 = arith.muli %arg1, %mul3A_66 : i32
    %mul3A_68 = arith.constant 640 : i32
    %mul3A_69 = arith.muli %arg1, %mul3A_68 : i32
    "tpu.region"() ({
      %run_scoped3A = tpu.sem_alloc : memref<!tpu.dma_semaphore, #tpu.memory_space<semaphore_mem>>
      %dma_start3A_70 = arith.constant 0 : i32
      %dma_start3A_71 = tpu.memref_slice %arg5[%arg0, %mul3A_69, %dma_start3A_70] : memref<2x10240x64xf32, #tpu.memory_space<hbm>> -> memref<1x640x64xf32, #tpu.memory_space<hbm>>
      %dma_start3A_72 = tpu.memref_squeeze %dma_start3A_71 : memref<1x640x64xf32, #tpu.memory_space<hbm>> -> memref<640x64xf32, #tpu.memory_space<hbm>>
      %dma_start3A_73 = arith.constant 0 : i32
      %dma_start3A_74 = tpu.memref_slice %arg6[%mul3A_67, %dma_start3A_73] : memref<10240x64xf32, #tpu.memory_space<vmem_shared>> -> memref<640x64xf32, #tpu.memory_space<vmem_shared>>
      tpu.enqueue_dma source(%dma_start3A_74 : memref<640x64xf32, #tpu.memory_space<vmem_shared>>) target(%dma_start3A_72 : memref<640x64xf32, #tpu.memory_space<hbm>>) target_semaphore(%run_scoped3A : memref<!tpu.dma_semaphore, #tpu.memory_space<semaphore_mem>>)
      %dma_wait3A_75 = arith.constant 0 : i32
      %dma_wait3A_76 = tpu.memref_slice %arg5[%arg0, %mul3A_69, %dma_wait3A_75] : memref<2x10240x64xf32, #tpu.memory_space<hbm>> -> memref<1x640x64xf32, #tpu.memory_space<hbm>>
      %dma_wait3A_77 = tpu.memref_squeeze %dma_wait3A_76 : memref<1x640x64xf32, #tpu.memory_space<hbm>> -> memref<640x64xf32, #tpu.memory_space<hbm>>
      %dma_wait3A_78 = arith.constant 0 : i32
      %dma_wait3A_79 = tpu.memref_slice %arg6[%mul3A_67, %dma_wait3A_78] : memref<10240x64xf32, #tpu.memory_space<vmem_shared>> -> memref<640x64xf32, #tpu.memory_space<vmem_shared>>
      tpu.wait_dma2 semaphore(%run_scoped3A : memref<!tpu.dma_semaphore, #tpu.memory_space<semaphore_mem>>) src(%dma_wait3A_79 : memref<640x64xf32, #tpu.memory_space<vmem_shared>>) dst(%dma_wait3A_77 : memref<640x64xf32, #tpu.memory_space<hbm>>)
      tpu.yield
    }) : () -> ()
    return
  }
}

module attributes {stable_mosaic.version = 14 : i64} {
  func.func @_prep_body(%arg0: i32, %arg1: i32, %arg2: memref<2000x128xf32, #tpu.memory_space<vmem>>, %arg3: memref<1x128x64xf32, #tpu.memory_space<vmem>>, %arg4: memref<2x2000x16xf32, #tpu.memory_space<vmem>>, %arg5: memref<1x2000x64xf32, #tpu.memory_space<vmem>>, %arg6: memref<2000x1xf32, #tpu.memory_space<vmem>>) attributes {dimension_semantics = [#tpu.dimension_semantics<arbitrary>, #tpu.dimension_semantics<arbitrary>], iteration_bounds = array<i64: 5, 2>, scalar_prefetch = 0 : i64, scratch_operands = 0 : i64, tpu.core_type = #tpu.core_type<tc>, window_params = [{transform_indices = @transform_0, window_bounds = array<i64: 2000, 128>}, {transform_indices = @transform_1, window_bounds = array<i64: 1, 128, 64>}, {transform_indices = @transform_2, window_bounds = array<i64: 2, 2000, 16>}, {transform_indices = @transform_3, window_bounds = array<i64: 1, 2000, 64>}, {transform_indices = @transform_4, window_bounds = array<i64: 2000, 1>}]} {
    %get3A = arith.constant 0 : index
    %get3A_0 = arith.constant 0 : index
    %get3A_1 = arith.constant 0 : index
    %get3A_2 = vector.load %arg4[%get3A, %get3A_0, %get3A_1] : memref<2x2000x16xf32, #tpu.memory_space<vmem>>, vector<2x2000x16xf32>
    %slice3A = vector.extract_strided_slice %get3A_2 {offsets = [0, 0, 0], sizes = [1, 2000, 1], strides = [1, 1, 1]} : vector<2x2000x16xf32> to vector<1x2000x1xf32>
    %squeeze3A = vector.shape_cast %slice3A : vector<1x2000x1xf32> to vector<2000x1xf32>
    %slice3A_3 = vector.extract_strided_slice %get3A_2 {offsets = [1, 0, 0], sizes = [1, 2000, 1], strides = [1, 1, 1]} : vector<2x2000x16xf32> to vector<1x2000x1xf32>
    %squeeze3A_4 = vector.shape_cast %slice3A_3 : vector<1x2000x1xf32> to vector<2000x1xf32>
    %add3A = arith.addf %squeeze3A, %squeeze3A_4 : vector<2000x1xf32>
    %add3A_5 = arith.constant 1.000000e+00 : f32
    %add3A_6 = vector.broadcast %add3A_5 : f32 to vector<2000x1xf32>
    %add3A_7 = arith.addf %add3A, %add3A_6 : vector<2000x1xf32>
    %rsqrt3A = math.rsqrt %add3A_7 : vector<2000x1xf32>
    %get3A_8 = arith.constant 0 : index
    %get3A_9 = arith.constant 0 : index
    %get3A_10 = vector.load %arg2[%get3A_8, %get3A_9] : memref<2000x128xf32, #tpu.memory_space<vmem>>, vector<2000x128xf32>
    %get3A_11 = arith.constant 0 : index
    %get3A_12 = arith.constant 0 : index
    %get3A_13 = arith.constant 0 : index
    %get3A_14 = vector.load %arg3[%get3A_11, %get3A_12, %get3A_13] : memref<1x128x64xf32, #tpu.memory_space<vmem>>, vector<1x128x64xf32>
    %get3A_15 = vector.shape_cast %get3A_14 : vector<1x128x64xf32> to vector<128x64xf32>
    %dot_general3A = arith.constant dense<0.000000e+00> : vector<2000x64xf32>
    %dot_general3A_16 = tpu.matmul %get3A_10, %get3A_15, %dot_general3A {dimension_numbers = #tpu.dot_dimension_numbers<[1], [0], [0], [1], [0, 0, 1, 1], [], []>, transpose_lhs_hint = false} : vector<2000x128xf32>, vector<128x64xf32>, vector<2000x64xf32> -> vector<2000x64xf32>
    %mul3A = vector.broadcast %rsqrt3A : vector<2000x1xf32> to vector<2000x64xf32>
    %mul3A_17 = arith.mulf %dot_general3A_16, %mul3A : vector<2000x64xf32>
    %swap3A = arith.constant 0 : index
    %swap3A_18 = arith.constant 0 : index
    %swap3A_19 = arith.constant 0 : index
    %swap3A_20 = vector.load %arg5[%swap3A, %swap3A_18, %swap3A_19] : memref<1x2000x64xf32, #tpu.memory_space<vmem>>, vector<1x2000x64xf32>
    %swap3A_21 = vector.shape_cast %swap3A_20 : vector<1x2000x64xf32> to vector<2000x64xf32>
    %swap3A_22 = vector.shape_cast %mul3A_17 : vector<2000x64xf32> to vector<1x2000x64xf32>
    tpu.vector_store %arg5[%swap3A, %swap3A_18, %swap3A_19], %swap3A_22 {strides = array<i32>} : memref<1x2000x64xf32, #tpu.memory_space<vmem>>, vector<1x2000x64xf32>,
    %swap3A_23 = arith.constant 0 : index
    %swap3A_24 = arith.constant 0 : index
    %swap3A_25 = vector.load %arg6[%swap3A_23, %swap3A_24] : memref<2000x1xf32, #tpu.memory_space<vmem>>, vector<2000x1xf32>
    tpu.vector_store %arg6[%swap3A_23, %swap3A_24], %rsqrt3A {strides = array<i32>} : memref<2000x1xf32, #tpu.memory_space<vmem>>, vector<2000x1xf32>,
    return
  }
  func.func @transform_0(%arg0: i32, %arg1: i32) -> (i32, i32) {
    %c0_i32 = arith.constant 0 : i32
    %c0_i32_0 = arith.constant 0 : i32
    return %arg0, %c0_i32 : i32, i32
  }
  func.func @transform_1(%arg0: i32, %arg1: i32) -> (i32, i32, i32) {
    %c0_i32 = arith.constant 0 : i32
    %c0_i32_0 = arith.constant 0 : i32
    %c0_i32_1 = arith.constant 0 : i32
    return %arg1, %c0_i32, %c0_i32_0 : i32, i32, i32
  }
  func.func @transform_2(%arg0: i32, %arg1: i32) -> (i32, i32, i32) {
    %c0_i32 = arith.constant 0 : i32
    %c0_i32_0 = arith.constant 0 : i32
    %c0_i32_1 = arith.constant 0 : i32
    return %c0_i32, %arg0, %c0_i32_0 : i32, i32, i32
  }
  func.func @transform_3(%arg0: i32, %arg1: i32) -> (i32, i32, i32) {
    %c0_i32 = arith.constant 0 : i32
    %c0_i32_0 = arith.constant 0 : i32
    return %arg1, %arg0, %c0_i32 : i32, i32, i32
  }
  func.func @transform_4(%arg0: i32, %arg1: i32) -> (i32, i32) {
    %c0_i32 = arith.constant 0 : i32
    %c0_i32_0 = arith.constant 0 : i32
    return %arg0, %c0_i32 : i32, i32
  }
}

module attributes {stable_mosaic.version = 14 : i64} {
  func.func @_fin_body(%arg0: i32, %arg1: i32, %arg2: memref<2000x128xf32, #tpu.memory_space<vmem>>, %arg3: memref<1x2000x64xf32, #tpu.memory_space<vmem>>, %arg4: memref<1x2000x64xf32, #tpu.memory_space<vmem>>, %arg5: memref<1x2000x64xf32, #tpu.memory_space<vmem>>, %arg6: memref<1x2000x64xf32, #tpu.memory_space<vmem>>, %arg7: memref<2000x1xf32, #tpu.memory_space<vmem>>, %arg8: memref<1x128xf32, #tpu.memory_space<vmem>>, %arg9: memref<1x128xf32, #tpu.memory_space<vmem>>, %arg10: memref<1x128xf32, #tpu.memory_space<vmem>>, %arg11: memref<2000x128xf32, #tpu.memory_space<vmem>>, %arg12: memref<10000x128xf32, #tpu.memory_space<vmem>>, %arg13: memref<1x128xf32, #tpu.memory_space<vmem>>, %arg14: memref<1x128xf32, #tpu.memory_space<vmem>>) attributes {dimension_semantics = [#tpu.dimension_semantics<arbitrary>, #tpu.dimension_semantics<arbitrary>], iteration_bounds = array<i64: 2, 5>, scalar_prefetch = 0 : i64, scratch_operands = 3 : i64, tpu.core_type = #tpu.core_type<tc>, window_params = [{transform_indices = @transform_0, window_bounds = array<i64: 2000, 128>}, {transform_indices = @transform_1, window_bounds = array<i64: 1, 2000, 64>}, {transform_indices = @transform_2, window_bounds = array<i64: 1, 2000, 64>}, {transform_indices = @transform_3, window_bounds = array<i64: 1, 2000, 64>}, {transform_indices = @transform_4, window_bounds = array<i64: 1, 2000, 64>}, {transform_indices = @transform_5, window_bounds = array<i64: 2000, 1>}, {pipeline_mode = #tpu.pipeline_mode<synchronous>, transform_indices = @transform_6, window_bounds = array<i64: 1, 128>}, {pipeline_mode = #tpu.pipeline_mode<synchronous>, transform_indices = @transform_7, window_bounds = array<i64: 1, 128>}, {pipeline_mode = #tpu.pipeline_mode<synchronous>, transform_indices = @transform_8, window_bounds = array<i64: 1, 128>}, {transform_indices = @transform_9, window_bounds = array<i64: 2000, 128>}]} {
    %eq3A = arith.constant 0 : i32
    %eq3A_0 = arith.cmpi eq, %arg0, %eq3A : i32
    %convert_element_type3A = arith.extui %eq3A_0 : i1 to i32
    %cond3A = arith.constant 0 : i32
    %cond3A_1 = arith.cmpi ne, %convert_element_type3A, %cond3A : i32
    scf.if %cond3A_1 {
      %get3A = arith.constant 0 : index
      %get3A_7 = arith.constant 0 : index
      %get3A_8 = arith.constant 0 : index
      %get3A_9 = vector.load %arg5[%get3A, %get3A_7, %get3A_8] : memref<1x2000x64xf32, #tpu.memory_space<vmem>>, vector<1x2000x64xf32>
      %get3A_10 = vector.shape_cast %get3A_9 : vector<1x2000x64xf32> to vector<2000x64xf32>
      %get3A_11 = arith.constant 0 : index
      %get3A_12 = arith.constant 0 : index
      %get3A_13 = arith.constant 0 : index
      %get3A_14 = vector.load %arg3[%get3A_11, %get3A_12, %get3A_13] : memref<1x2000x64xf32, #tpu.memory_space<vmem>>, vector<1x2000x64xf32>
      %get3A_15 = vector.shape_cast %get3A_14 : vector<1x2000x64xf32> to vector<2000x64xf32>
      %add3A = arith.addf %get3A_10, %get3A_15 : vector<2000x64xf32>
      %get3A_16 = arith.constant 0 : index
      %get3A_17 = arith.constant 0 : index
      %get3A_18 = arith.constant 0 : index
      %get3A_19 = vector.load %arg6[%get3A_16, %get3A_17, %get3A_18] : memref<1x2000x64xf32, #tpu.memory_space<vmem>>, vector<1x2000x64xf32>
      %get3A_20 = vector.shape_cast %get3A_19 : vector<1x2000x64xf32> to vector<2000x64xf32>
      %get3A_21 = arith.constant 0 : index
      %get3A_22 = arith.constant 0 : index
      %get3A_23 = arith.constant 0 : index
      %get3A_24 = vector.load %arg4[%get3A_21, %get3A_22, %get3A_23] : memref<1x2000x64xf32, #tpu.memory_space<vmem>>, vector<1x2000x64xf32>
      %get3A_25 = vector.shape_cast %get3A_24 : vector<1x2000x64xf32> to vector<2000x64xf32>
      %add3A_26 = arith.addf %get3A_20, %get3A_25 : vector<2000x64xf32>
      %concatenate3A = tpu.concatenate %add3A, %add3A_26 in 1 : vector<2000x64xf32>, vector<2000x64xf32> -> vector<2000x128xf32>
      %get3A_27 = arith.constant 0 : index
      %get3A_28 = arith.constant 0 : index
      %get3A_29 = vector.load %arg2[%get3A_27, %get3A_28] : memref<2000x128xf32, #tpu.memory_space<vmem>>, vector<2000x128xf32>
      %get3A_30 = arith.constant 0 : index
      %get3A_31 = arith.constant 0 : index
      %get3A_32 = vector.load %arg7[%get3A_30, %get3A_31] : memref<2000x1xf32, #tpu.memory_space<vmem>>, vector<2000x1xf32>
      %mul3A = vector.broadcast %get3A_32 : vector<2000x1xf32> to vector<2000x128xf32>
      %mul3A_33 = arith.mulf %mul3A, %concatenate3A : vector<2000x128xf32>
      %add3A_34 = arith.addf %get3A_29, %mul3A_33 : vector<2000x128xf32>
      %get3A_35 = arith.constant 0 : index
      %get3A_36 = arith.constant 0 : index
      %get3A_37 = vector.load %arg8[%get3A_35, %get3A_36] : memref<1x128xf32, #tpu.memory_space<vmem>>, vector<1x128xf32>
      %add3A_38 = vector.broadcast %get3A_37 : vector<1x128xf32> to vector<2000x128xf32>
      %add3A_39 = arith.addf %add3A_34, %add3A_38 : vector<2000x128xf32>
      %mul3A_40 = arith.constant 2000 : i32
      %mul3A_41 = arith.muli %arg1, %mul3A_40 : i32
      %swap3A = arith.index_cast %mul3A_41 : i32 to index
      %swap3A_42 = arith.constant 0 : index
      %swap3A_43 = vector.load %arg12[%swap3A, %swap3A_42] : memref<10000x128xf32, #tpu.memory_space<vmem>>, vector<2000x128xf32>
      tpu.vector_store %arg12[%swap3A, %swap3A_42], %add3A_39 {strides = array<i32>} : memref<10000x128xf32, #tpu.memory_space<vmem>>, vector<2000x128xf32>,
      %eq3A_44 = arith.constant 0 : i32
      %eq3A_45 = arith.cmpi eq, %arg1, %eq3A_44 : i32
      %convert_element_type3A_46 = arith.extui %eq3A_45 : i1 to i32
      %cond3A_47 = arith.constant 0 : i32
      %cond3A_48 = arith.cmpi ne, %convert_element_type3A_46, %cond3A_47 : i32
      scf.if %cond3A_48 {
        %broadcast_in_dim3A_68 = arith.constant 0.000000e+00 : f32
        %broadcast_in_dim3A_69 = vector.broadcast %broadcast_in_dim3A_68 : f32 to vector<1x128xf32>
        %swap3A_70 = arith.constant 0 : index
        %swap3A_71 = arith.constant 0 : index
        %swap3A_72 = vector.load %arg13[%swap3A_70, %swap3A_71] : memref<1x128xf32, #tpu.memory_space<vmem>>, vector<1x128xf32>
        tpu.vector_store %arg13[%swap3A_70, %swap3A_71], %broadcast_in_dim3A_69 {strides = array<i32>} : memref<1x128xf32, #tpu.memory_space<vmem>>, vector<1x128xf32>,
        %broadcast_in_dim3A_73 = arith.constant 0.000000e+00 : f32
        %broadcast_in_dim3A_74 = vector.broadcast %broadcast_in_dim3A_73 : f32 to vector<1x128xf32>
        %swap3A_75 = arith.constant 0 : index
        %swap3A_76 = arith.constant 0 : index
        %swap3A_77 = vector.load %arg14[%swap3A_75, %swap3A_76] : memref<1x128xf32, #tpu.memory_space<vmem>>, vector<1x128xf32>
        tpu.vector_store %arg14[%swap3A_75, %swap3A_76], %broadcast_in_dim3A_74 {strides = array<i32>} : memref<1x128xf32, #tpu.memory_space<vmem>>, vector<1x128xf32>,
      } else {
      }
      %get3A_49 = arith.constant 0 : index
      %get3A_50 = arith.constant 0 : index
      %get3A_51 = vector.load %arg13[%get3A_49, %get3A_50] : memref<1x128xf32, #tpu.memory_space<vmem>>, vector<1x128xf32>
      %reduce_sum3A = arith.constant dense<0.000000e+00> : vector<128xf32>
      %reduce_sum3A_52 = vector.multi_reduction <add>, %add3A_39, %reduce_sum3A [0] : vector<2000x128xf32> to vector<128xf32>
      %broadcast_in_dim3A = vector.shape_cast %reduce_sum3A_52 : vector<128xf32> to vector<1x128xf32>
      %add3A_53 = arith.addf %get3A_51, %broadcast_in_dim3A : vector<1x128xf32>
      %swap3A_54 = arith.constant 0 : index
      %swap3A_55 = arith.constant 0 : index
      %swap3A_56 = vector.load %arg13[%swap3A_54, %swap3A_55] : memref<1x128xf32, #tpu.memory_space<vmem>>, vector<1x128xf32>
      tpu.vector_store %arg13[%swap3A_54, %swap3A_55], %add3A_53 {strides = array<i32>} : memref<1x128xf32, #tpu.memory_space<vmem>>, vector<1x128xf32>,
      %get3A_57 = arith.constant 0 : index
      %get3A_58 = arith.constant 0 : index
      %get3A_59 = vector.load %arg14[%get3A_57, %get3A_58] : memref<1x128xf32, #tpu.memory_space<vmem>>, vector<1x128xf32>
      %mul3A_60 = arith.mulf %add3A_39, %add3A_39 : vector<2000x128xf32>
      %reduce_sum3A_61 = arith.constant dense<0.000000e+00> : vector<128xf32>
      %reduce_sum3A_62 = vector.multi_reduction <add>, %mul3A_60, %reduce_sum3A_61 [0] : vector<2000x128xf32> to vector<128xf32>
      %broadcast_in_dim3A_63 = vector.shape_cast %reduce_sum3A_62 : vector<128xf32> to vector<1x128xf32>
      %add3A_64 = arith.addf %get3A_59, %broadcast_in_dim3A_63 : vector<1x128xf32>
      %swap3A_65 = arith.constant 0 : index
      %swap3A_66 = arith.constant 0 : index
      %swap3A_67 = vector.load %arg14[%swap3A_65, %swap3A_66] : memref<1x128xf32, #tpu.memory_space<vmem>>, vector<1x128xf32>
      tpu.vector_store %arg14[%swap3A_65, %swap3A_66], %add3A_64 {strides = array<i32>} : memref<1x128xf32, #tpu.memory_space<vmem>>, vector<1x128xf32>,
    } else {
    }
    %eq3A_2 = arith.constant 1 : i32
    %eq3A_3 = arith.cmpi eq, %arg0, %eq3A_2 : i32
    %convert_element_type3A_4 = arith.extui %eq3A_3 : i1 to i32
    %cond3A_5 = arith.constant 0 : i32
    %cond3A_6 = arith.cmpi ne, %convert_element_type3A_4, %cond3A_5 : i32
    scf.if %cond3A_6 {
      %get3A = arith.constant 0 : index
      %get3A_7 = arith.constant 0 : index
      %get3A_8 = vector.load %arg13[%get3A, %get3A_7] : memref<1x128xf32, #tpu.memory_space<vmem>>, vector<1x128xf32>
      %mul3A = arith.constant 9.99999974E-5 : f32
      %mul3A_9 = vector.broadcast %mul3A : f32 to vector<1x128xf32>
      %mul3A_10 = arith.mulf %get3A_8, %mul3A_9 : vector<1x128xf32>
      %get3A_11 = arith.constant 0 : index
      %get3A_12 = arith.constant 0 : index
      %get3A_13 = vector.load %arg14[%get3A_11, %get3A_12] : memref<1x128xf32, #tpu.memory_space<vmem>>, vector<1x128xf32>
      %mul3A_14 = arith.constant 9.99999974E-5 : f32
      %mul3A_15 = vector.broadcast %mul3A_14 : f32 to vector<1x128xf32>
      %mul3A_16 = arith.mulf %get3A_13, %mul3A_15 : vector<1x128xf32>
      %mul3A_17 = arith.mulf %mul3A_10, %mul3A_10 : vector<1x128xf32>
      %sub3A = arith.subf %mul3A_16, %mul3A_17 : vector<1x128xf32>
      %mul3A_18 = arith.constant 2000 : i32
      %mul3A_19 = arith.muli %arg1, %mul3A_18 : i32
      %get3A_20 = arith.index_cast %mul3A_19 : i32 to index
      %get3A_21 = arith.constant 0 : index
      %get3A_22 = vector.load %arg12[%get3A_20, %get3A_21] : memref<10000x128xf32, #tpu.memory_space<vmem>>, vector<2000x128xf32>
      %get3A_23 = arith.constant 0 : index
      %get3A_24 = arith.constant 0 : index
      %get3A_25 = vector.load %arg9[%get3A_23, %get3A_24] : memref<1x128xf32, #tpu.memory_space<vmem>>, vector<1x128xf32>
      %sub3A_26 = vector.broadcast %mul3A_10 : vector<1x128xf32> to vector<2000x128xf32>
      %sub3A_27 = arith.subf %get3A_22, %sub3A_26 : vector<2000x128xf32>
      %mul3A_28 = vector.broadcast %get3A_25 : vector<1x128xf32> to vector<2000x128xf32>
      %mul3A_29 = arith.mulf %mul3A_28, %sub3A_27 : vector<2000x128xf32>
      %add3A = arith.constant 9.99999974E-6 : f32
      %add3A_30 = vector.broadcast %add3A : f32 to vector<1x128xf32>
      %add3A_31 = arith.addf %sub3A, %add3A_30 : vector<1x128xf32>
      %rsqrt3A = math.rsqrt %add3A_31 : vector<1x128xf32>
      %mul3A_32 = vector.broadcast %rsqrt3A : vector<1x128xf32> to vector<2000x128xf32>
      %mul3A_33 = arith.mulf %mul3A_29, %mul3A_32 : vector<2000x128xf32>
      %get3A_34 = arith.constant 0 : index
      %get3A_35 = arith.constant 0 : index
      %get3A_36 = vector.load %arg10[%get3A_34, %get3A_35] : memref<1x128xf32, #tpu.memory_space<vmem>>, vector<1x128xf32>
      %add3A_37 = vector.broadcast %get3A_36 : vector<1x128xf32> to vector<2000x128xf32>
      %add3A_38 = arith.addf %mul3A_33, %add3A_37 : vector<2000x128xf32>
      %swap3A = arith.constant 0 : index
      %swap3A_39 = arith.constant 0 : index
      %swap3A_40 = vector.load %arg11[%swap3A, %swap3A_39] : memref<2000x128xf32, #tpu.memory_space<vmem>>, vector<2000x128xf32>
      tpu.vector_store %arg11[%swap3A, %swap3A_39], %add3A_38 {strides = array<i32>} : memref<2000x128xf32, #tpu.memory_space<vmem>>, vector<2000x128xf32>,
    } else {
    }
    return
  }
  func.func @transform_0(%arg0: i32, %arg1: i32) -> (i32, i32) {
    %c0_i32 = arith.constant 0 : i32
    %c0_i32_0 = arith.constant 0 : i32
    return %arg1, %c0_i32 : i32, i32
  }
  func.func @transform_1(%arg0: i32, %arg1: i32) -> (i32, i32, i32) {
    %c0_i32 = arith.constant 0 : i32
    %c0_i32_0 = arith.constant 0 : i32
    %c0_i32_1 = arith.constant 0 : i32
    return %c0_i32, %arg1, %c0_i32_0 : i32, i32, i32
  }
  func.func @transform_2(%arg0: i32, %arg1: i32) -> (i32, i32, i32) {
    %c1_i32 = arith.constant 1 : i32
    %c0_i32 = arith.constant 0 : i32
    %c0_i32_0 = arith.constant 0 : i32
    return %c1_i32, %arg1, %c0_i32 : i32, i32, i32
  }
  func.func @transform_3(%arg0: i32, %arg1: i32) -> (i32, i32, i32) {
    %c0_i32 = arith.constant 0 : i32
    %c0_i32_0 = arith.constant 0 : i32
    %c0_i32_1 = arith.constant 0 : i32
    return %c0_i32, %arg1, %c0_i32_0 : i32, i32, i32
  }
  func.func @transform_4(%arg0: i32, %arg1: i32) -> (i32, i32, i32) {
    %c1_i32 = arith.constant 1 : i32
    %c0_i32 = arith.constant 0 : i32
    %c0_i32_0 = arith.constant 0 : i32
    return %c1_i32, %arg1, %c0_i32 : i32, i32, i32
  }
  func.func @transform_5(%arg0: i32, %arg1: i32) -> (i32, i32) {
    %c0_i32 = arith.constant 0 : i32
    %c0_i32_0 = arith.constant 0 : i32
    return %arg1, %c0_i32 : i32, i32
  }
  func.func @transform_6(%arg0: i32, %arg1: i32) -> (i32, i32) {
    %c0_i32 = arith.constant 0 : i32
    %c0_i32_0 = arith.constant 0 : i32
    %c0_i32_1 = arith.constant 0 : i32
    return %c0_i32, %c0_i32_0 : i32, i32
  }
  func.func @transform_7(%arg0: i32, %arg1: i32) -> (i32, i32) {
    %c0_i32 = arith.constant 0 : i32
    %c0_i32_0 = arith.constant 0 : i32
    %c0_i32_1 = arith.constant 0 : i32
    return %c0_i32, %c0_i32_0 : i32, i32
  }
  func.func @transform_8(%arg0: i32, %arg1: i32) -> (i32, i32) {
    %c0_i32 = arith.constant 0 : i32
    %c0_i32_0 = arith.constant 0 : i32
    %c0_i32_1 = arith.constant 0 : i32
    return %c0_i32, %c0_i32_0 : i32, i32
  }
  func.func @transform_9(%arg0: i32, %arg1: i32) -> (i32, i32) {
    %c0_i32 = arith.constant 0 : i32
    %c0_i32_0 = arith.constant 0 : i32
    return %arg1, %c0_i32 : i32, i32
  }
}

</mosaic_0001>

<sc_bundles>
// kernel: kernel.6.cloned.1.call-start
scs
__scs_entry_jumppad:
0x0: {  	(pc) =	sbr.rel $0x88, $3  }
0x1: {  	(tag) =	ssettag $0x0;
	lr =	simm.s32 $0x1  }
0x2: {  	[smem:$0x3F9B] =	sst lr;
	_ =	strace $0xD0000000  }
0x3: {  	_ = 	snop  }
0x4: {  	_ = 	snop  }
0x5: {  	_ = 	snop  }
0x6: {  	_ = 	snop  }
0x7: {  	_ = 	snop  }
__scs_overlays_trampoline_lowered:
0x8: {  	[smem:$0x3FAA] =	sst s0  }
0x9: {  	[smem:$0x3FAB] =	sst s1  }
0xa: {  	[smem:$0x3FAC] =	sst s2  }
0xb: {  	[smem:$0x3FAD] =	sst s3  }
0xc: {  	[smem:$0x3FAE] =	sst s4  }
0xd: {  	[smem:$0x3FAF] =	sst s5  }
0xe: {  	[smem:$0x3FB0] =	sst s6  }
0xf: {  	[smem:$0x3FB1] =	sst s7  }
0x10: {  	[smem:$0x3FB2] =	sst s8  }
0x11: {  	[smem:$0x3FB3] =	sst s9;
	s0 =	simm.s32 @!p0 $0x0  }
0x12: {  	s1 =	sld [smem:$0x3F99];
	s0 =	simm.s32 @p0 $0x1  }
0x13: {  	[smem:$0x3FB4] =	sst s0;
	s0 =	simm.s32 @!p1 $0x0  }
0x14: {  	s2 =	sld [smem:$0x3F98];
	s0 =	simm.s32 @p1 $0x1  }
0x15: {  	[smem:$0x3FB5] =	sst s0;
	s0 =	simm.s32 @!p2 $0x0  }
0x16: {  	s3 =	sld [smem:$0x3FDB];
	s0 =	simm.s32 @p2 $0x1  }
0x17: {  	s4 =	simm.s32 $0x1BF5;
	[smem:$0x3FB7] =	sst s0  }
0x18: {  	s0 =	sld [smem:$0x3F9A];
	_ =	swait.ge [sflag:s4], $0x0  }
0x19: {  	s7 =	sld [smem:$0x3F9B]  }
0x1a: {  	s8 =	sadd.s32 $0xFFFFE003, lr  }
0x1b: {  	s9 =	sadd.s32 $0xFFFFFEF7, lr;
	s5 =	simm.s32 $0xFFFFFFFF;
	p2 =	slt.u32 s8, $0xFFFFF086  }
0x1c: {  	p1 =	slt.u32 s9, $0xF7A;
	s5 =	simm.s32 @!p2 $0x0  }
0x1d: {  	s5 =	simm.s32 @p1 $0x1;
	p0 =	seq.s32 s7, s2  }
0x1e: {  	s7 =	smul.u32 @!p0 $0xF7A, s2;
	p2 =	seq.s32 @!p0 s5, $0x0  }
0x1f: {  	s9 =	smul.u32 $0xF7A, s1;
	s8 =	simm.s32 @!p0 $0x1BF5;
	p2 =	por !p2, p0  }
0x20: {  	[sflag:s8] =	ssyncset.s32 @!p0 $0xFFFFF086;
	s6 =	sadd.s32 @!p0 s3, s7;
	s7 =	simm.s32 @!p0 $0x108  }
0x21: {  	s3 =	sadd.s32 s3, s9;
	s6 =	sadd.s32 @!p0 $0x88, s6;
	s7 =	simm.s32 @p2 $0x1082  }
0x22: {  	[simem:s7], [sflag:s8] =	dma.local @!p0 [hbm:s6], $0xF7A  }
0x23: {  	s9 =	sor.u32 $0xD0000000, s2;
	s6 =	simm.s32 $0x108;
	_ =	swait.ge @!p0 [sflag:s8], $0x0  }
0x24: {  	s3 =	sadd.s32 $0x88, s3;
	s6 =	simm.s32 @!p1 $0x1082;
	[sflag:s4] =	ssyncset.s32 $0xFFFFF086  }
0x25: {  	[simem:s6], [sflag:s4] =	dma.local [hbm:s3], $0xF7A  }
0x26: {  	[smem:$0x3F9B] =	sst s1;
	(tag) =	ssettag s2;
	_ =	strace s9  }
0x27: {  	s1 =	sld [smem:$0x3FAB]  }
0x28: {  	s2 =	sld [smem:$0x3FAC]  }
0x29: {  	s4 =	sld [smem:$0x3FAE]  }
0x2a: {  	p0 =	seq.s32 s5, $0x0;
	s5 =	sld [smem:$0x3FAF]  }
0x2b: {  	s6 =	sld [smem:$0x3FB0]  }
0x2c: {  	s7 =	sld [smem:$0x3FB1]  }
0x2d: {  	s3 =	simm.s32 $0x108;
	s8 =	sld [smem:$0x3FB2]  }
0x2e: {  	s3 =	simm.s32 @!p0 $0x1082;
	s9 =	sld [smem:$0x3FB3]  }
0x2f: {  	lr =	sadd.s32 s0, s3;
	s0 =	sld [smem:$0x3FAA]  }
0x30: {  	s3 =	sld [smem:$0x3FAD]  }
0x31: {  	[smem:$0x3FB6] =	sst s10  }
0x32: {  	s10 =	sld [smem:$0x3FB4];
	_ =	sdelay $0x3  }
0x33: {  	p0 =	seq.s32 s10, $0x1;
	s10 =	sld [smem:$0x3FB6];
	_ =	sdelay $0x3  }
0x34: {  	[smem:$0x3FB6] =	sst s10  }
0x35: {  	s10 =	sld [smem:$0x3FB5];
	_ =	sdelay $0x3  }
0x36: {  	p1 =	seq.s32 s10, $0x1;
	s10 =	sld [smem:$0x3FB6];
	_ =	sdelay $0x3  }
0x37: {  	[smem:$0x3FB6] =	sst s10  }
0x38: {  	s10 =	sld [smem:$0x3FB7]  }
0x39: {  	_ = 	snop;
	(pc) =	sbr.ind lr, $3  }
0x3a: {  	_ = 	snop  }
0x3b: {  	_ = 	snop  }
0x3c: {  	p2 =	seq.s32 s10, $0x1;
	s10 =	sld [smem:$0x3FB6]  }
0x3d: {  	_ =	shalt  }
0x3e: {  	_ =	shalt  }
0x3f: {  	_ =	shalt  }
0x40: {  	_ =	shalt  }
0x41: {  	_ =	shalt  }
0x42: {  	_ =	shalt  }
0x43: {  	_ =	shalt  }
0x44: {  	_ =	shalt  }
0x45: {  	_ =	shalt  }
0x46: {  	_ =	shalt  }
0x47: {  	_ =	shalt  }
0x48: {  	_ =	shalt  }
0x49: {  	_ =	shalt  }
0x4a: {  	_ =	shalt  }
0x4b: {  	_ =	shalt  }
0x4c: {  	_ =	shalt  }
0x4d: {  	_ =	shalt  }
0x4e: {  	_ =	shalt  }
0x4f: {  	_ =	shalt  }
0x50: {  	_ =	shalt  }
0x51: {  	_ =	shalt  }
0x52: {  	_ =	shalt  }
0x53: {  	_ =	shalt  }
0x54: {  	_ =	shalt  }
0x55: {  	_ =	shalt  }
0x56: {  	_ =	shalt  }
0x57: {  	_ =	shalt  }
0x58: {  	_ =	shalt  }
0x59: {  	_ =	shalt  }
0x5a: {  	_ =	shalt  }
0x5b: {  	_ =	shalt  }
0x5c: {  	_ =	shalt  }
0x5d: {  	_ =	shalt  }
0x5e: {  	_ =	shalt  }
0x5f: {  	_ =	shalt  }
0x60: {  	_ =	shalt  }
0x61: {  	_ =	shalt  }
0x62: {  	_ =	shalt  }
0x63: {  	_ =	shalt  }
0x64: {  	_ =	shalt  }
0x65: {  	_ =	shalt  }
0x66: {  	_ =	shalt  }
0x67: {  	_ =	shalt  }
0x68: {  	_ =	shalt  }
0x69: {  	_ =	shalt  }
0x6a: {  	_ =	shalt  }
0x6b: {  	_ =	shalt  }
0x6c: {  	_ =	shalt  }
0x6d: {  	_ =	shalt  }
0x6e: {  	_ =	shalt  }
0x6f: {  	_ =	shalt  }
0x70: {  	_ =	shalt  }
0x71: {  	_ =	shalt  }
0x72: {  	_ =	shalt  }
0x73: {  	_ =	shalt  }
0x74: {  	_ =	shalt  }
0x75: {  	_ =	shalt  }
0x76: {  	_ =	shalt  }
0x77: {  	_ =	shalt  }
0x78: {  	_ =	shalt  }
0x79: {  	_ =	shalt  }
0x7a: {  	_ =	shalt  }
0x7b: {  	_ =	shalt  }
0x7c: {  	_ =	shalt  }
0x7d: {  	_ =	shalt  }
0x7e: {  	_ =	shalt  }
0x7f: {  	_ =	shalt  }
0x80: {  	_ =	shalt  }
0x81: {  	_ =	shalt  }
0x82: {  	_ =	shalt  }
0x83: {  	_ =	shalt  }
0x84: {  	_ =	shalt  }
0x85: {  	_ =	shalt  }
0x86: {  	_ =	shalt  }
0x87: {  	_ =	shalt  }
.Lfunc_end0:
.L_simem_size_0:
called_computation_lowered:
.L_overlay_start_0:
0x88: {  	s2 =	sld [smem:$0x3FD9]  }
0x89: {  	s3 =	sld [smem:$0x3FFE];
	_ =	sdelay $0x1  }
0x8a: {  	s1 =	srdreg.scid  }
0x8b: {  	s0 =	sand.u32 $0x1, s1  }
0x8c: {  	s17 =	sshll.u32 s0, $0xA;
	s2 =	sadd.s32 s3, s2  }
0x8d: {  	s2 =	sadd.s32 s2, s17  }
0x8e: {  	[smem:$0x3FC2] =	sst s2  }
0x8f: {  	_ = 	snop  }
0x90: {  	s2 =	sld [smem:$0x3FD0];
	(tm) =	ssettm $0x1  }
0x91: {  	s18 =	sld [smem:$0x3FFB];
	_ =	sdelay $0x3  }
0x92: {  	_ =	strace s18  }
0x93: {  	s3 =	sld [smem:$0x3FFC];
	_ =	sdelay $0x3  }
0x94: {  	_ =	strace s3  }
0x95: {  	s3 =	sld [smem:$0x3FFD];
	_ =	sdelay $0x3  }
0x96: {  	_ =	strace s3  }
0x97: {  	_ =	strace $0x8FFFFFFF  }
0x98: {  	s19 =	sld [smem:$0x3FDB];
	_ =	sdelay $0x1  }
0x99: {  	s4 =	simm.s32 $_scs_section_size  }
0x9a: {  	s5 =	simm.s32 $_size__tile_overlayer_lowered;
	s6 =	simm.s32 $_tile_overlayer_lowered  }
0x9b: {  	s22 =	simm.s32 $0x1BFF;
	s21 =	sshll.u32 s6, $0x1;
	s3 =	sadd.s32 s4, s19  }
0x9c: {  	s7 =	simm.s32 $0x0;
	s20 =	sshll.u32 s5, $0x1;
	s5 =	sadd.s32 s21, s3  }
0x9d: {  	[timem:s7], [sflag:s22] =	dma.local [hbm:s5], s20  }
0x9e: {  	_ =	swait.ge [sflag:s22], s20  }
0x9f: {  	s4 =	ssub.s32 $0x0, s20;
	[sflag:s22] =	ssyncset.done $0x0  }
0xa0: {  	[sflag:s22] =	ssyncadd.s32 s4;
	_ =	sdelay $0x1  }
0xa1: {  	s23 =	simm.s32 $0x1B8B  }
0xa2: {  	_ =	swait.ge [sflag:s23], $0x1  }
0xa3: {  	[sflag:s23] =	ssyncset.done $0x0  }
0xa4: {  	s25 =	simm.s32 $0x1B8E;
	s24 =	sld [smem:$0x3FFE];
	[sflag:s23] =	ssyncadd.s32 $0xFFFFFFFF  }
0xa5: {  	s26 =	simm.s32 $execute0_lowered;
	[smem:$0x3FD2] =	sst s25  }
0xa6: {  	s5 =	sshll.u32 s26, $0x1;
	_ =	strace $0x80000046;
	[dreg:$0x1] =	wrdreg $0xFFFFFFFF  }
0xa7: {  	s28 =	simm.s32 $_size_execute0_lowered;
	s3 =	sadd.s32 s3, s5;
	[dreg:$0x0] =	wrdreg $0x0  }
0xa8: {  	s5 =	sshll.u32 s28, $0x1;
	[dreg:$0x2] =	wrdreg s3  }
0xa9: {  	[dreg:$0x3] =	wrdreg s5  }
0xaa: {  	[dreg:$0x4] =	wrdreg $0xC0  }
0xab: {  	_ =	task [dreg:s7], $0x5FFFF  }
0xac: {  	[dreg:$0x1] =	wrdreg $0xFFFFFFFF  }
0xad: {  	[dreg:$0x0] =	wrdreg $0x60  }
0xae: {  	[dreg:$0x2] =	wrdreg s24  }
0xaf: {  	[dreg:$0x3] =	wrdreg s2  }
0xb0: {  	[dreg:$0x4] =	wrdreg $0x0  }
0xb1: {  	[dreg:$0x5] =	wrdreg $0x9  }
0xb2: {  	_ =	task.clear_ibuf [dreg:s7], $0x6FFFF;
	_ =	strace $0x90000046  }
0xb3: {  	s29 =	simm.s32 $0x9;
	_ =	strace $0x80000048  }
0xb4: {  	_ =	swait.ge [sflag:s29], $0x1  }
0xb5: {  	[sflag:s29] =	ssyncadd.s32 $0xFFFFFFFF  }
0xb6: {  	_ =	strace $0x90000048  }
0xb7: {  	_ =	sfence  }
0xb8: {  	s30 =	sld [smem:$0x0];
	_ =	sdelay $0x2  }
0xb9: {  	s31 =	sshll.u32 s1, $0xD;
	s1 =	sshrl.u32 s1, $0x2  }
0xba: {  	s3 =	sand.u32 $0x4000, s31;
	s1 =	sadd.s32 s1, s30  }
0xbb: {  	s0 =	sor.u32 s3, s0;
	s1 =	sshll.u32 s1, $0x11  }
0xbc: {  	s0 =	sor.u32 s1, s0  }
0xbd: {  	s0 =	sadd.s32 $0x8F2B, s0  }
0xbe: {  	[sflag:s0] =	ssyncadd.remote.s32 $0x1  }
0xbf: {  	_ =	sfence.sel $0xFFFF  }
0xc0: {  	[dreg:$0x0] =	wrdreg $0xFFFFFFFF;
	(pc) =	sbr.abs _section_cstart, $3  }
0xc1: {  	[dreg:$0x1] =	wrdreg $0xFFFFFFFF  }
0xc2: {  	_ =	task.clear_ibuf [dreg:s7], $0x2FFFF;
	_ =	strace $0x9FFFFFFF  }
0xc3: {  	(tm) =	ssettm $0x7FFFFFFF  }
tec
execute0_lowered:
.L_overlay_start_1:
0x0: {  	(tag) =	ssettag $0x1  }
0x1: {  	s5 =	rddreg [dreg:$0x0]  }
0x2: {  	s6 =	rddreg [dreg:$0x1]  }
0x3: {  	s0 =	srdreg.scid;
	s2 =	rddreg [dreg:$0x2]  }
0x4: {  	s3 =	simm.s32 $0x0;
	s10 =	simm.s32 $0x56E0;
	s11 =	simm.s32 $0x78  }
0x5: {  	s12 =	simm.s32 $0x4F60;
	s4 =	sand.u32 $0x1, s0;
	s0 =	stileid.u32  }
0x6: {  	s13 =	simm.s32 $0x1;
	[smem:$0x7FF] =	sst s3;
	s8 =	smul.u32 $0x2800, s0  }
0x7: {  	s1 =	sshll.u32 s4, $0x4;
	s9 =	smul.u32 $0x28000, s4;
	s4 =	ssub.s32 $0x2, s4  }
0x8: {  	s14 =	sshll.u32 s0, $0x6;
	s1 =	sor.u32 s0, s1;
	s31 =	sshrl.u32 s4, $0x1  }
0x9: {  	s14 =	sor.u32 $0x1C02, s14;
	s7 =	smul.u32 $0x4EC, s1;
	s9 =	sadd.s32 s8, s9  }
0xa: {  	s1 =	rddreg [dreg:$0x3];
	_ =	strace $0x80000047;
	s9 =	sshrl.u32 s9, $0x3  }
0xb: {  	s5 =	sadd.s32 s7, s5;
	s7 =	ssub.s32 s4, s31;
	s6 =	sadd.s32 s6, s9  }
0xc: {  	s9 =	simm.s32 $0x2;
	s4 =	sadd.s32 $0x1400, s5;
	s5 =	sadd.s32 s8, s2  }
0xd: {  	v0 =	vimm.f32 $0.0e+00;
	v1 =	vimm.f32 $1.000000000e+00;
	s7 =	smax.u32 s7, $0x1;
	s8 =	simm.s32 $0x2800;
	s15 =	sshrl.u32 s5, $0x3  }
.LBB2_1:
0xe: {  	s16 =	simm.s32 $0x0  }
.LBB2_2:
0xf: {  	p0 =	sne.s32 s16, $0x9FC0  }
.Ltmp0:
0x10: {  	_ = 	snop;
	(pc) =	sbr.rel @p0 .LBB2_2-.Ltmp0, $3  }
0x11: {  	_ =	sdelay $0x1  }
0x12: {  	s17 =	sshra.s32 s16, $0x2  }
0x13: {  	s16 =	sadd.s32 $0x40, s16;
	[tilespmem:s17+$0x56E0] =	vst v0  }
0x14: {  	s16 =	simm.s32 $0x40;
	s17 =	simm.s32 $0x0  }
.LBB2_4:
0x15: {  	p0 =	sne.s32 s16, $0x1DC0;
	[tilespmem:s17+$0x4F60] =	vst v1;
	s17 =	smov.u32 s16;
	s16 =	sadd.s32 $0x40, s16  }
.Ltmp1:
0x16: {  	(pc) =	sbr.rel @p0 .LBB2_4-.Ltmp1, $2  }
0x17: {  	_ =	sdelay $0x2  }
0x18: {  	s17 =	sshra.s32 s17, $0x2  }
0x19: {  	[tilespmem:s17+$0x4F60] =	vst v1;
	s16 =	simm.s32 $0x0  }
0x1a: {  	[tilespmem:s8], [sflag:$0x2] =	stream.linear.gather [hbm4b:s4+s16], $0x2760, $0x38;
	[tilespmem:$0x7EE0] =	vst v63  }
0x1b: {  	_ =	swait.ge [sflag:s9], $0x2760  }
0x1c: {  	[sflag:s9] =	ssyncset.done $0x0  }
0x1d: {  	[sflag:s9] =	ssyncadd.s32 $0xFFFFD8A0  }
0x1e: {  	[spmem:s5] =	stream.linear.scatter [tilespmem:s10], [sflag:$0x2], $0x2800, $0x38;
	[tilespmem:$0x7EE0] =	vst v63  }
0x1f: {  	_ =	swait.ge [sflag:s9], $0x2800  }
0x20: {  	[sflag:s9] =	ssyncset.done $0x0  }
0x21: {  	[sflag:s9] =	ssyncadd.s32 $0xFFFFD800  }
0x22: {  	s30 =	simm.s32 $0x2800;
	[bflag:$0x0] =	sbarrier.arrive $0xFFFF  }
0x23: {  	[spmem:s2] =	stream.indirect.scatter.add.f32 [tilespmem:s12], [sflag:$0x1], $0x10, s30, s11, $0xb8;
	[tilespmem:$0x7EE0] =	vst v63  }
0x24: {  	s31 =	simm.s32 $0x2878  }
0x25: {  	[spmem:s2] =	stream.indirect.scatter.add.f32 [tilespmem:s12], [sflag:$0x1], $0x10, s31, s11, $0xb8;
	[tilespmem:$0x7EE0] =	vst v63  }
0x26: {  	_ =	swait.ge [sflag:s13], $0x780  }
0x27: {  	[sflag:s13] =	ssyncset.done $0x0  }
0x28: {  	[sflag:s13] =	ssyncadd.s32 $0xFFFFF880  }
0x29: {  	_ =	swait.ge [sflag:s13], $0x780  }
0x2a: {  	s17 =	simm.s32 $0x780;
	s16 =	simm.s32 $0xF0;
	[sflag:s13] =	ssyncset.done $0x0  }
.LBB2_6:
0x2b: {  	s18 =	sadd.s32 $0x2800, s16  }
0x2c: {  	[sflag:s13] =	ssyncadd.s32 $0xFFFFF880;
	s19 =	smov.u32 s17;
	s20 =	sadd.s32 $0x3C0, s17  }
0x2d: {  	[spmem:s2] =	stream.indirect.scatter.add.f32 [tilespmem:s12], [sflag:$0x1], $0x10, s18, s11, $0xb8;
	[tilespmem:$0x7EE0] =	vst v63  }
0x2e: {  	p0 =	sne.s32 s17, $0x99C0;
	s16 =	sadd.s32 $0x2878, s16  }
0x2f: {  	[spmem:s2] =	stream.indirect.scatter.add.f32 [tilespmem:s12], [sflag:$0x1], $0x10, s16, s11, $0xb8;
	[tilespmem:$0x7EE0] =	vst v63  }
.Ltmp2:
0x30: {  	_ =	swait.ge [sflag:s13], $0x780;
	(pc) =	sbr.rel @p0 .LBB2_6-.Ltmp2, $4  }
0x31: {  	[sflag:s13] =	ssyncset.done $0x0  }
0x32: {  	[sflag:s13] =	ssyncadd.s32 $0xFFFFF880  }
0x33: {  	_ =	swait.ge [sflag:s13], $0x780  }
0x34: {  	s17 =	smov.u32 s20;
	s16 =	sshra.s32 s19, $0x2;
	[sflag:s13] =	ssyncset.done $0x0  }
0x35: {  	s17 =	sadd.s32 $0x2800, s16;
	[sflag:s13] =	ssyncadd.s32 $0xFFFFF880  }
0x36: {  	[spmem:s2] =	stream.indirect.scatter.add.f32 [tilespmem:s12], [sflag:$0x1], $0x10, s17, s11, $0xb8;
	[tilespmem:$0x7EE0] =	vst v63  }
0x37: {  	s31 =	sadd.s32 $0x2878, s16  }
0x38: {  	[spmem:s2] =	stream.indirect.scatter.add.f32 [tilespmem:s12], [sflag:$0x1], $0x10, s31, s11, $0xb8;
	[tilespmem:$0x7EE0] =	vst v63  }
0x39: {  	_ =	swait.ge [sflag:s13], $0x780  }
0x3a: {  	[sflag:s13] =	ssyncset.done $0x0  }
0x3b: {  	[sflag:s13] =	ssyncadd.s32 $0xFFFFF880  }
0x3c: {  	_ =	swait.ge [sflag:s13], $0x780  }
0x3d: {  	s3 =	sadd.s32 $0x1, s3;
	[sflag:s13] =	ssyncset.done $0x0  }
0x3e: {  	p0 =	sne.s32 s3, s7;
	[sflag:s13] =	ssyncadd.s32 $0xFFFFF880  }
.Ltmp3:
0x3f: {  	[bflag:$0x0] =	sbarrier.arrive $0xFFFF;
	(pc) =	sbr.rel @p0 .LBB2_1-.Ltmp3, $4  }
0x40: {  	[hbm:s6], [sflag:s14] =	dma.local [spmem:s15], $0x500  }
0x41: {  	_ =	swait.ge [sflag:s9], $0x500  }
0x42: {  	[sflag:s9] =	ssyncset.done $0x0  }
0x43: {  	[sflag:s9] =	ssyncadd.s32 $0xFFFFFB00  }
0x44: {  	_ =	sfence.sel $0x180000  }
0x45: {  	[bflag:$0x0] =	sbarrier.arrive $0xFFFF  }
0x46: {  	p0 =	sne.s32 s0, $0x0;
	_ =	strace $0x90000047  }
0x47: {  	s0 =	sadd.s32 @!p0 $0x100000, s1;
	[bflag:$0x2] =	sbarrier.arrive $0xFFFF  }
0x48: {  	[sflag:s0] =	ssyncadd.tile.s32 @!p0 $0x1;
	_ =	shalt  }
.Lfunc_end2:
_tile_overlayer_lowered:
.L_overlay_start_2:
0x49: {  	(tag) =	ssettag $0x2  }
0x4a: {  	s0 =	rddreg [dreg:$0x0];
	s2 =	stileid.u32  }
0x4b: {  	s1 =	rddreg [dreg:$0x1];
	p0 =	sne.s32 s2, $0x0  }
0x4c: {  	s3 =	rddreg [dreg:$0x2];
	[bflag:$0x3] =	sbarrier.arrive $0xFFFF;
	s2 =	simm.s32 @!p0 $0x1C02  }
0x4d: {  	[timem:s3], [sflag:s2] =	dma.local @!p0 [hbm:s0], s1  }
0x4e: {  	s0 =	simm.s32 @!p0 $0x2  }
0x4f: {  	_ =	swait.ge @!p0 [sflag:s0], s1  }
0x50: {  	s1 =	ssub.s32 @!p0 $0x0, s1;
	[sflag:s0] =	ssyncset.done @!p0 $0x0  }
0x51: {  	[sflag:s0] =	ssyncadd.s32 @!p0 s1  }
0x52: {  	[bflag:$0x3] =	sbarrier.arrive $0xFFFF  }
0x53: {  	_ =	shalt  }

// kernel: kernel.9.cloned.1.call-start
scs
__scs_entry_jumppad:
0x0: {  	(pc) =	sbr.rel $0x88, $3  }
0x1: {  	(tag) =	ssettag $0x0;
	lr =	simm.s32 $0x1  }
0x2: {  	[smem:$0x3F9B] =	sst lr;
	_ =	strace $0xD0000000  }
0x3: {  	_ = 	snop  }
0x4: {  	_ = 	snop  }
0x5: {  	_ = 	snop  }
0x6: {  	_ = 	snop  }
0x7: {  	_ = 	snop  }
__scs_overlays_trampoline_lowered:
0x8: {  	[smem:$0x3FAA] =	sst s0  }
0x9: {  	[smem:$0x3FAB] =	sst s1  }
0xa: {  	[smem:$0x3FAC] =	sst s2  }
0xb: {  	[smem:$0x3FAD] =	sst s3  }
0xc: {  	[smem:$0x3FAE] =	sst s4  }
0xd: {  	[smem:$0x3FAF] =	sst s5  }
0xe: {  	[smem:$0x3FB0] =	sst s6  }
0xf: {  	[smem:$0x3FB1] =	sst s7  }
0x10: {  	[smem:$0x3FB2] =	sst s8  }
0x11: {  	[smem:$0x3FB3] =	sst s9;
	s0 =	simm.s32 @!p0 $0x0  }
0x12: {  	s1 =	sld [smem:$0x3F99];
	s0 =	simm.s32 @p0 $0x1  }
0x13: {  	[smem:$0x3FB4] =	sst s0;
	s0 =	simm.s32 @!p1 $0x0  }
0x14: {  	s2 =	sld [smem:$0x3F98];
	s0 =	simm.s32 @p1 $0x1  }
0x15: {  	[smem:$0x3FB5] =	sst s0;
	s0 =	simm.s32 @!p2 $0x0  }
0x16: {  	s3 =	sld [smem:$0x3FDB];
	s0 =	simm.s32 @p2 $0x1  }
0x17: {  	s4 =	simm.s32 $0x1BF5;
	[smem:$0x3FB7] =	sst s0  }
0x18: {  	s0 =	sld [smem:$0x3F9A];
	_ =	swait.ge [sflag:s4], $0x0  }
0x19: {  	s7 =	sld [smem:$0x3F9B]  }
0x1a: {  	s8 =	sadd.s32 $0xFFFFE003, lr  }
0x1b: {  	s9 =	sadd.s32 $0xFFFFFEF7, lr;
	s5 =	simm.s32 $0xFFFFFFFF;
	p2 =	slt.u32 s8, $0xFFFFF086  }
0x1c: {  	p1 =	slt.u32 s9, $0xF7A;
	s5 =	simm.s32 @!p2 $0x0  }
0x1d: {  	s5 =	simm.s32 @p1 $0x1;
	p0 =	seq.s32 s7, s2  }
0x1e: {  	s7 =	smul.u32 @!p0 $0xF7A, s2;
	p2 =	seq.s32 @!p0 s5, $0x0  }
0x1f: {  	s9 =	smul.u32 $0xF7A, s1;
	s8 =	simm.s32 @!p0 $0x1BF5;
	p2 =	por !p2, p0  }
0x20: {  	[sflag:s8] =	ssyncset.s32 @!p0 $0xFFFFF086;
	s6 =	sadd.s32 @!p0 s3, s7;
	s7 =	simm.s32 @!p0 $0x108  }
0x21: {  	s3 =	sadd.s32 s3, s9;
	s6 =	sadd.s32 @!p0 $0x88, s6;
	s7 =	simm.s32 @p2 $0x1082  }
0x22: {  	[simem:s7], [sflag:s8] =	dma.local @!p0 [hbm:s6], $0xF7A  }
0x23: {  	s9 =	sor.u32 $0xD0000000, s2;
	s6 =	simm.s32 $0x108;
	_ =	swait.ge @!p0 [sflag:s8], $0x0  }
0x24: {  	s3 =	sadd.s32 $0x88, s3;
	s6 =	simm.s32 @!p1 $0x1082;
	[sflag:s4] =	ssyncset.s32 $0xFFFFF086  }
0x25: {  	[simem:s6], [sflag:s4] =	dma.local [hbm:s3], $0xF7A  }
0x26: {  	[smem:$0x3F9B] =	sst s1;
	(tag) =	ssettag s2;
	_ =	strace s9  }
0x27: {  	s1 =	sld [smem:$0x3FAB]  }
0x28: {  	s2 =	sld [smem:$0x3FAC]  }
0x29: {  	s4 =	sld [smem:$0x3FAE]  }
0x2a: {  	p0 =	seq.s32 s5, $0x0;
	s5 =	sld [smem:$0x3FAF]  }
0x2b: {  	s6 =	sld [smem:$0x3FB0]  }
0x2c: {  	s7 =	sld [smem:$0x3FB1]  }
0x2d: {  	s3 =	simm.s32 $0x108;
	s8 =	sld [smem:$0x3FB2]  }
0x2e: {  	s3 =	simm.s32 @!p0 $0x1082;
	s9 =	sld [smem:$0x3FB3]  }
0x2f: {  	lr =	sadd.s32 s0, s3;
	s0 =	sld [smem:$0x3FAA]  }
0x30: {  	s3 =	sld [smem:$0x3FAD]  }
0x31: {  	[smem:$0x3FB6] =	sst s10  }
0x32: {  	s10 =	sld [smem:$0x3FB4];
	_ =	sdelay $0x3  }
0x33: {  	p0 =	seq.s32 s10, $0x1;
	s10 =	sld [smem:$0x3FB6];
	_ =	sdelay $0x3  }
0x34: {  	[smem:$0x3FB6] =	sst s10  }
0x35: {  	s10 =	sld [smem:$0x3FB5];
	_ =	sdelay $0x3  }
0x36: {  	p1 =	seq.s32 s10, $0x1;
	s10 =	sld [smem:$0x3FB6];
	_ =	sdelay $0x3  }
0x37: {  	[smem:$0x3FB6] =	sst s10  }
0x38: {  	s10 =	sld [smem:$0x3FB7]  }
0x39: {  	_ = 	snop;
	(pc) =	sbr.ind lr, $3  }
0x3a: {  	_ = 	snop  }
0x3b: {  	_ = 	snop  }
0x3c: {  	p2 =	seq.s32 s10, $0x1;
	s10 =	sld [smem:$0x3FB6]  }
0x3d: {  	_ =	shalt  }
0x3e: {  	_ =	shalt  }
0x3f: {  	_ =	shalt  }
0x40: {  	_ =	shalt  }
0x41: {  	_ =	shalt  }
0x42: {  	_ =	shalt  }
0x43: {  	_ =	shalt  }
0x44: {  	_ =	shalt  }
0x45: {  	_ =	shalt  }
0x46: {  	_ =	shalt  }
0x47: {  	_ =	shalt  }
0x48: {  	_ =	shalt  }
0x49: {  	_ =	shalt  }
0x4a: {  	_ =	shalt  }
0x4b: {  	_ =	shalt  }
0x4c: {  	_ =	shalt  }
0x4d: {  	_ =	shalt  }
0x4e: {  	_ =	shalt  }
0x4f: {  	_ =	shalt  }
0x50: {  	_ =	shalt  }
0x51: {  	_ =	shalt  }
0x52: {  	_ =	shalt  }
0x53: {  	_ =	shalt  }
0x54: {  	_ =	shalt  }
0x55: {  	_ =	shalt  }
0x56: {  	_ =	shalt  }
0x57: {  	_ =	shalt  }
0x58: {  	_ =	shalt  }
0x59: {  	_ =	shalt  }
0x5a: {  	_ =	shalt  }
0x5b: {  	_ =	shalt  }
0x5c: {  	_ =	shalt  }
0x5d: {  	_ =	shalt  }
0x5e: {  	_ =	shalt  }
0x5f: {  	_ =	shalt  }
0x60: {  	_ =	shalt  }
0x61: {  	_ =	shalt  }
0x62: {  	_ =	shalt  }
0x63: {  	_ =	shalt  }
0x64: {  	_ =	shalt  }
0x65: {  	_ =	shalt  }
0x66: {  	_ =	shalt  }
0x67: {  	_ =	shalt  }
0x68: {  	_ =	shalt  }
0x69: {  	_ =	shalt  }
0x6a: {  	_ =	shalt  }
0x6b: {  	_ =	shalt  }
0x6c: {  	_ =	shalt  }
0x6d: {  	_ =	shalt  }
0x6e: {  	_ =	shalt  }
0x6f: {  	_ =	shalt  }
0x70: {  	_ =	shalt  }
0x71: {  	_ =	shalt  }
0x72: {  	_ =	shalt  }
0x73: {  	_ =	shalt  }
0x74: {  	_ =	shalt  }
0x75: {  	_ =	shalt  }
0x76: {  	_ =	shalt  }
0x77: {  	_ =	shalt  }
0x78: {  	_ =	shalt  }
0x79: {  	_ =	shalt  }
0x7a: {  	_ =	shalt  }
0x7b: {  	_ =	shalt  }
0x7c: {  	_ =	shalt  }
0x7d: {  	_ =	shalt  }
0x7e: {  	_ =	shalt  }
0x7f: {  	_ =	shalt  }
0x80: {  	_ =	shalt  }
0x81: {  	_ =	shalt  }
0x82: {  	_ =	shalt  }
0x83: {  	_ =	shalt  }
0x84: {  	_ =	shalt  }
0x85: {  	_ =	shalt  }
0x86: {  	_ =	shalt  }
0x87: {  	_ =	shalt  }
.Lfunc_end0:
.L_simem_size_0:
called_computation.1_lowered:
.L_overlay_start_0:
0x88: {  	s2 =	sld [smem:$0x3FD9]  }
0x89: {  	s3 =	sld [smem:$0x3FFE];
	_ =	sdelay $0x1  }
0x8a: {  	s1 =	srdreg.scid  }
0x8b: {  	s0 =	sand.u32 $0x1, s1  }
0x8c: {  	s17 =	sshll.u32 s0, $0xA;
	s2 =	sadd.s32 s3, s2  }
0x8d: {  	s2 =	sadd.s32 s2, s17  }
0x8e: {  	[smem:$0x3FC2] =	sst s2  }
0x8f: {  	_ = 	snop  }
0x90: {  	s2 =	sld [smem:$0x3FD0];
	(tm) =	ssettm $0x1  }
0x91: {  	s18 =	sld [smem:$0x3FFB];
	_ =	sdelay $0x3  }
0x92: {  	_ =	strace s18  }
0x93: {  	s3 =	sld [smem:$0x3FFC];
	_ =	sdelay $0x3  }
0x94: {  	_ =	strace s3  }
0x95: {  	s3 =	sld [smem:$0x3FFD];
	_ =	sdelay $0x3  }
0x96: {  	_ =	strace s3  }
0x97: {  	_ =	strace $0x8FFFFFFF  }
0x98: {  	s19 =	sld [smem:$0x3FDB];
	_ =	sdelay $0x1  }
0x99: {  	s4 =	simm.s32 $_scs_section_size  }
0x9a: {  	s5 =	simm.s32 $_size__tile_overlayer_lowered;
	s6 =	simm.s32 $_tile_overlayer_lowered  }
0x9b: {  	s22 =	simm.s32 $0x1BFF;
	s21 =	sshll.u32 s6, $0x1;
	s3 =	sadd.s32 s4, s19  }
0x9c: {  	s7 =	simm.s32 $0x0;
	s20 =	sshll.u32 s5, $0x1;
	s5 =	sadd.s32 s21, s3  }
0x9d: {  	[timem:s7], [sflag:s22] =	dma.local [hbm:s5], s20  }
0x9e: {  	_ =	swait.ge [sflag:s22], s20  }
0x9f: {  	s4 =	ssub.s32 $0x0, s20;
	[sflag:s22] =	ssyncset.done $0x0  }
0xa0: {  	[sflag:s22] =	ssyncadd.s32 s4;
	_ =	sdelay $0x1  }
0xa1: {  	s23 =	simm.s32 $0x1B8B  }
0xa2: {  	_ =	swait.ge [sflag:s23], $0x1  }
0xa3: {  	[sflag:s23] =	ssyncset.done $0x0  }
0xa4: {  	s25 =	simm.s32 $0x1B8E;
	s24 =	sld [smem:$0x3FFE];
	[sflag:s23] =	ssyncadd.s32 $0xFFFFFFFF  }
0xa5: {  	s26 =	simm.s32 $execute0_lowered;
	[smem:$0x3FD2] =	sst s25  }
0xa6: {  	s5 =	sshll.u32 s26, $0x1;
	_ =	strace $0x80000049;
	[dreg:$0x1] =	wrdreg $0xFFFFFFFF  }
0xa7: {  	s28 =	simm.s32 $_size_execute0_lowered;
	s3 =	sadd.s32 s3, s5;
	[dreg:$0x0] =	wrdreg $0x0  }
0xa8: {  	s5 =	sshll.u32 s28, $0x1;
	[dreg:$0x2] =	wrdreg s3  }
0xa9: {  	[dreg:$0x3] =	wrdreg s5  }
0xaa: {  	[dreg:$0x4] =	wrdreg $0xC0  }
0xab: {  	_ =	task [dreg:s7], $0x5FFFF  }
0xac: {  	[dreg:$0x1] =	wrdreg $0xFFFFFFFF  }
0xad: {  	[dreg:$0x0] =	wrdreg $0x60  }
0xae: {  	[dreg:$0x2] =	wrdreg s24  }
0xaf: {  	[dreg:$0x3] =	wrdreg s2  }
0xb0: {  	[dreg:$0x4] =	wrdreg $0x0  }
0xb1: {  	[dreg:$0x5] =	wrdreg $0x9  }
0xb2: {  	_ =	task.clear_ibuf [dreg:s7], $0x6FFFF;
	_ =	strace $0x90000049  }
0xb3: {  	s29 =	simm.s32 $0x9;
	_ =	strace $0x8000004B  }
0xb4: {  	_ =	swait.ge [sflag:s29], $0x1  }
0xb5: {  	[sflag:s29] =	ssyncadd.s32 $0xFFFFFFFF  }
0xb6: {  	_ =	strace $0x9000004B  }
0xb7: {  	_ =	sfence  }
0xb8: {  	s30 =	sld [smem:$0x0];
	_ =	sdelay $0x2  }
0xb9: {  	s31 =	sshll.u32 s1, $0xD;
	s1 =	sshrl.u32 s1, $0x2  }
0xba: {  	s3 =	sand.u32 $0x4000, s31;
	s1 =	sadd.s32 s1, s30  }
0xbb: {  	s0 =	sor.u32 s3, s0;
	s1 =	sshll.u32 s1, $0x11  }
0xbc: {  	s0 =	sor.u32 s1, s0  }
0xbd: {  	s0 =	sadd.s32 $0x8F2B, s0  }
0xbe: {  	[sflag:s0] =	ssyncadd.remote.s32 $0x1  }
0xbf: {  	_ =	sfence.sel $0xFFFF  }
0xc0: {  	[dreg:$0x0] =	wrdreg $0xFFFFFFFF;
	(pc) =	sbr.abs _section_cstart, $3  }
0xc1: {  	[dreg:$0x1] =	wrdreg $0xFFFFFFFF  }
0xc2: {  	_ =	task.clear_ibuf [dreg:s7], $0x2FFFF;
	_ =	strace $0x9FFFFFFF  }
0xc3: {  	(tm) =	ssettm $0x7FFFFFFF  }
tec
execute0_lowered:
.L_overlay_start_1:
0x0: {  	(tag) =	ssettag $0x1  }
0x1: {  	s4 =	rddreg [dreg:$0x0]  }
0x2: {  	s10 =	rddreg [dreg:$0x1]  }
0x3: {  	s2 =	rddreg [dreg:$0x2]  }
0x4: {  	s0 =	rddreg [dreg:$0x3];
	s1 =	stileid.u32  }
0x5: {  	s6 =	srdreg.scid;
	s3 =	simm.s32 $0x0;
	s15 =	simm.s32 $0xA000  }
0x6: {  	s16 =	simm.s32 $0xEE48;
	s17 =	simm.s32 $0x78;
	s18 =	simm.s32 $0x13C90  }
0x7: {  	s19 =	simm.s32 $0x15A90;
	s20 =	simm.s32 $0x1;
	s5 =	smul.u32 $0x9C9, s1  }
0x8: {  	s21 =	simm.s32 $0x2;
	s22 =	simm.s32 $0xEDD0;
	s7 =	smul.u32 $0xA000, s1  }
0x9: {  	s6 =	sand.u32 $0x1, s6;
	[smem:$0x7FF] =	sst s3;
	s9 =	smul.u32 $0x28000, s1  }
0xa: {  	s23 =	simm.s32 $0x13C18;
	s8 =	smul.u32 $0xA0000, s6;
	_ =	strace $0x8000004A  }
0xb: {  	s30 =	ssub.s32 $0x2, s6;
	s14 =	smul.u32 $0x13880, s6;
	s11 =	sadd.s32 s5, s4  }
0xc: {  	s12 =	sshrl.u32 s30, $0x1;
	s9 =	sshrl.u32 s9, $0x2;
	s29 =	sadd.s32 s7, s8  }
0xd: {  	s12 =	ssub.s32 s30, s12;
	s31 =	sadd.s32 s9, s2;
	s8 =	sadd.s32 $0xB200, s11  }
0xe: {  	s9 =	sadd.s32 $0x15000, s11;
	s10 =	sadd.s32 s10, s14;
	s14 =	simm.s32 $0x3  }
0xf: {  	s5 =	sshrl.u32 s29, $0x3;
	s6 =	sadd.s32 $0x5000, s31;
	s12 =	smax.u32 s12, $0x1  }
0x10: {  	s13 =	sadd.s32 s5, s4;
	s4 =	sadd.s32 s7, s2;
	s5 =	sadd.s32 $0x2800, s31  }
0x11: {  	v0 =	vimm.f32 $0.0e+00;
	s7 =	sadd.s32 $0x7800, s31;
	s11 =	sadd.s32 $0x1EE00, s13;
	s13 =	simm.s32 $0x17890  }
.LBB2_1:
0x12: {  	s25 =	simm.s32 $0x100;
	s24 =	simm.s32 $0x0  }
.LBB2_2:
0x13: {  	p0 =	sne.s32 s25, $0x9F00;
	[tilespmem:s24+$0x178C0] =	vst v0;
	s26 =	smov.u32 s25;
	s25 =	sadd.s32 $0x100, s25  }
.Ltmp0:
0x14: {  	[tilespmem:s24+$0x178B0] =	vst v0;
	(pc) =	sbr.rel @p0 .LBB2_2-.Ltmp0, $3  }
0x15: {  	[tilespmem:s24+$0x17890] =	vst v0  }
0x16: {  	[tilespmem:s24+$0x178A0] =	vst v0;
	_ =	sdelay $0x1  }
0x17: {  	s24 =	sshra.s32 s26, $0x2  }
0x18: {  	[tilespmem:s24+$0x178C0] =	vst v0  }
0x19: {  	[tilespmem:s24+$0x178B0] =	vst v0  }
0x1a: {  	[tilespmem:s24+$0x17890] =	vst v0  }
0x1b: {  	[tilespmem:s24+$0x178A0] =	vst v0  }
0x1c: {  	[spmem:s4] =	stream.linear.scatter [tilespmem:s13], [sflag:$0x3], $0x2800, $0x38;
	[tilespmem:$0x1A090] =	vst v63  }
0x1d: {  	_ =	swait.ge [sflag:s14], $0x2800  }
0x1e: {  	[sflag:s14] =	ssyncset.done $0x0  }
0x1f: {  	[sflag:s14] =	ssyncadd.s32 $0xFFFFD800  }
0x20: {  	[spmem:s5] =	stream.linear.scatter [tilespmem:s13], [sflag:$0x3], $0x2800, $0x38;
	[tilespmem:$0x1A090] =	vst v63  }
0x21: {  	_ =	swait.ge [sflag:s14], $0x2800  }
0x22: {  	[sflag:s14] =	ssyncset.done $0x0  }
0x23: {  	[sflag:s14] =	ssyncadd.s32 $0xFFFFD800  }
0x24: {  	[spmem:s6] =	stream.linear.scatter [tilespmem:s13], [sflag:$0x3], $0x2800, $0x38;
	[tilespmem:$0x1A090] =	vst v63  }
0x25: {  	_ =	swait.ge [sflag:s14], $0x2800  }
0x26: {  	[sflag:s14] =	ssyncset.done $0x0  }
0x27: {  	[sflag:s14] =	ssyncadd.s32 $0xFFFFD800  }
0x28: {  	[spmem:s7] =	stream.linear.scatter [tilespmem:s13], [sflag:$0x3], $0x2800, $0x38;
	[tilespmem:$0x1A090] =	vst v63  }
0x29: {  	_ =	swait.ge [sflag:s14], $0x2800  }
0x2a: {  	[sflag:s14] =	ssyncset.done $0x0  }
0x2b: {  	s26 =	simm.s32 $0x0;
	[sflag:s14] =	ssyncadd.s32 $0xFFFFD800  }
0x2c: {  	[tilespmem:s15], [sflag:$0x3] =	stream.linear.gather [hbm4b:s8+s26], $0x4E48, $0x38;
	[tilespmem:$0x1A090] =	vst v63  }
0x2d: {  	_ =	swait.ge [sflag:s14], $0x4E48  }
0x2e: {  	[sflag:s14] =	ssyncset.done $0x0  }
0x2f: {  	[sflag:s14] =	ssyncadd.s32 $0xFFFFB1B8  }
0x30: {  	[tilespmem:s16], [sflag:$0x3] =	stream.linear.gather [hbm4b:s9+s26], $0x4E48, $0x38;
	[tilespmem:$0x1A090] =	vst v63  }
0x31: {  	_ =	swait.ge [sflag:s14], $0x4E48  }
0x32: {  	[sflag:s14] =	ssyncset.done $0x0  }
0x33: {  	[sflag:s14] =	ssyncadd.s32 $0xFFFFB1B8  }
0x34: {  	s28 =	simm.s32 $0xA000;
	[bflag:$0x0] =	sbarrier.arrive $0xFFFF  }
0x35: {  	[tilespmem:s18], [sflag:$0x1] =	stream.indirect.gather [hbm4b:s10+s17], $0x40, s28, s17, $0xb8;
	[tilespmem:$0x1A090] =	vst v63  }
0x36: {  	s29 =	simm.s32 $0xA078  }
0x37: {  	[tilespmem:s19], [sflag:$0x1] =	stream.indirect.gather [hbm4b:s10+s17], $0x40, s29, s17, $0xb8;
	[tilespmem:$0x1A090] =	vst v63  }
0x38: {  	_ =	swait.ge [sflag:s20], $0x1E00  }
0x39: {  	[sflag:s20] =	ssyncset.done $0x0  }
0x3a: {  	s30 =	simm.s32 $0xEE48;
	[sflag:s20] =	ssyncadd.s32 $0xFFFFE200  }
0x3b: {  	[spmem:s2] =	stream.indirect.scatter.add.f32 [tilespmem:s18], [sflag:$0x2], $0x40, s30, s17, $0xb8;
	[tilespmem:$0x1A090] =	vst v63  }
0x3c: {  	_ =	swait.ge [sflag:s20], $0x1E00  }
0x3d: {  	[sflag:s20] =	ssyncset.done $0x0  }
0x3e: {  	s31 =	simm.s32 $0xEEC0;
	[sflag:s20] =	ssyncadd.s32 $0xFFFFE200  }
0x3f: {  	[spmem:s2] =	stream.indirect.scatter.add.f32 [tilespmem:s19], [sflag:$0x2], $0x40, s31, s17, $0xb8;
	[tilespmem:$0x1A090] =	vst v63  }
0x40: {  	_ =	swait.ge [sflag:s21], $0x1E00  }
0x41: {  	[sflag:s21] =	ssyncset.done $0x0  }
0x42: {  	[sflag:s21] =	ssyncadd.s32 $0xFFFFE200  }
0x43: {  	_ =	swait.ge [sflag:s21], $0x1E00  }
0x44: {  	s25 =	simm.s32 $0x780;
	s24 =	simm.s32 $0xF0;
	[sflag:s21] =	ssyncset.done $0x0  }
.LBB2_4:
0x45: {  	s26 =	sadd.s32 $0xA000, s24  }
0x46: {  	[sflag:s21] =	ssyncadd.s32 $0xFFFFE200;
	s28 =	smov.u32 s25;
	s29 =	sadd.s32 $0x3C0, s25  }
0x47: {  	[tilespmem:s18], [sflag:$0x1] =	stream.indirect.gather [hbm4b:s10+s17], $0x40, s26, s17, $0xb8;
	[tilespmem:$0x1A090] =	vst v63  }
0x48: {  	p0 =	sne.s32 s25, $0x13380;
	s25 =	sadd.s32 $0xA078, s24  }
0x49: {  	[tilespmem:s19], [sflag:$0x1] =	stream.indirect.gather [hbm4b:s10+s17], $0x40, s25, s17, $0xb8;
	[tilespmem:$0x1A090] =	vst v63  }
0x4a: {  	_ =	swait.ge [sflag:s20], $0x1E00  }
0x4b: {  	[sflag:s20] =	ssyncset.done $0x0  }
0x4c: {  	s25 =	sadd.s32 $0xEE48, s24;
	[sflag:s20] =	ssyncadd.s32 $0xFFFFE200  }
0x4d: {  	[spmem:s2] =	stream.indirect.scatter.add.f32 [tilespmem:s18], [sflag:$0x2], $0x40, s25, s17, $0xb8;
	[tilespmem:$0x1A090] =	vst v63  }
0x4e: {  	_ =	swait.ge [sflag:s20], $0x1E00  }
0x4f: {  	[sflag:s20] =	ssyncset.done $0x0  }
0x50: {  	s24 =	sadd.s32 $0xEEC0, s24;
	[sflag:s20] =	ssyncadd.s32 $0xFFFFE200  }
0x51: {  	[spmem:s2] =	stream.indirect.scatter.add.f32 [tilespmem:s19], [sflag:$0x2], $0x40, s24, s17, $0xb8;
	[tilespmem:$0x1A090] =	vst v63  }
.Ltmp1:
0x52: {  	_ =	swait.ge [sflag:s21], $0x1E00;
	(pc) =	sbr.rel @p0 .LBB2_4-.Ltmp1, $4  }
0x53: {  	[sflag:s21] =	ssyncset.done $0x0  }
0x54: {  	[sflag:s21] =	ssyncadd.s32 $0xFFFFE200  }
0x55: {  	_ =	swait.ge [sflag:s21], $0x1E00  }
0x56: {  	s25 =	smov.u32 s29;
	s24 =	sshra.s32 s28, $0x2;
	[sflag:s21] =	ssyncset.done $0x0  }
0x57: {  	s25 =	sadd.s32 $0xA000, s24;
	[sflag:s21] =	ssyncadd.s32 $0xFFFFE200  }
0x58: {  	[tilespmem:s18], [sflag:$0x1] =	stream.indirect.gather [hbm4b:s10+s17], $0x40, s25, s17, $0xb8;
	[tilespmem:$0x1A090] =	vst v63  }
0x59: {  	s26 =	sadd.s32 $0xA078, s24  }
0x5a: {  	[tilespmem:s19], [sflag:$0x1] =	stream.indirect.gather [hbm4b:s10+s17], $0x40, s26, s17, $0xb8;
	[tilespmem:$0x1A090] =	vst v63  }
0x5b: {  	_ =	swait.ge [sflag:s20], $0x1E00  }
0x5c: {  	[sflag:s20] =	ssyncset.done $0x0  }
0x5d: {  	s28 =	sadd.s32 $0xEE48, s24;
	[sflag:s20] =	ssyncadd.s32 $0xFFFFE200  }
0x5e: {  	[spmem:s2] =	stream.indirect.scatter.add.f32 [tilespmem:s18], [sflag:$0x2], $0x40, s28, s17, $0xb8;
	[tilespmem:$0x1A090] =	vst v63  }
0x5f: {  	_ =	swait.ge [sflag:s20], $0x1E00  }
0x60: {  	[sflag:s20] =	ssyncset.done $0x0  }
0x61: {  	s29 =	sadd.s32 $0xEEC0, s24;
	[sflag:s20] =	ssyncadd.s32 $0xFFFFE200  }
0x62: {  	[spmem:s2] =	stream.indirect.scatter.add.f32 [tilespmem:s19], [sflag:$0x2], $0x40, s29, s17, $0xb8;
	[tilespmem:$0x1A090] =	vst v63  }
0x63: {  	_ =	swait.ge [sflag:s21], $0x1E00  }
0x64: {  	[sflag:s21] =	ssyncset.done $0x0  }
0x65: {  	[sflag:s21] =	ssyncadd.s32 $0xFFFFE200  }
0x66: {  	_ =	swait.ge [sflag:s21], $0x1E00  }
0x67: {  	[sflag:s21] =	ssyncset.done $0x0  }
0x68: {  	[sflag:s21] =	ssyncadd.s32 $0xFFFFE200  }
0x69: {  	[tilespmem:s18], [sflag:$0x1] =	stream.indirect.gather [hbm4b:s10+s17], $0x40, s22, s17, $0xb8;
	[tilespmem:$0x1A090] =	vst v63  }
0x6a: {  	_ =	swait.ge [sflag:s20], $0x1E00  }
0x6b: {  	[sflag:s20] =	ssyncset.done $0x0  }
0x6c: {  	[sflag:s20] =	ssyncadd.s32 $0xFFFFE200  }
0x6d: {  	[spmem:s2] =	stream.indirect.scatter.add.f32 [tilespmem:s18], [sflag:$0x2], $0x40, s23, s17, $0xb8;
	[tilespmem:$0x1A090] =	vst v63  }
0x6e: {  	_ =	swait.ge [sflag:s21], $0x1E00  }
0x6f: {  	s30 =	sshll.u32 s1, $0x6;
	s3 =	sadd.s32 $0x1, s3;
	[sflag:s21] =	ssyncset.done $0x0  }
0x70: {  	s31 =	sshrl.u32 s4, $0x3;
	p0 =	sne.s32 s3, s12;
	[sflag:s21] =	ssyncadd.s32 $0xFFFFE200  }
.Ltmp2:
0x71: {  	s24 =	sor.u32 $0x1C03, s30;
	[bflag:$0x0] =	sbarrier.arrive $0xFFFF;
	(pc) =	sbr.rel @p0 .LBB2_1-.Ltmp2, $4  }
0x72: {  	[hbm:s11], [sflag:s24] =	dma.local [spmem:s31], $0x1400  }
0x73: {  	_ =	swait.ge [sflag:s14], $0x1400  }
0x74: {  	[sflag:s14] =	ssyncset.done $0x0  }
0x75: {  	[sflag:s14] =	ssyncadd.s32 $0xFFFFEC00  }
0x76: {  	_ =	sfence.sel $0x180000  }
0x77: {  	[bflag:$0x0] =	sbarrier.arrive $0xFFFF  }
0x78: {  	p0 =	sne.s32 s1, $0x0;
	_ =	strace $0x9000004A  }
0x79: {  	s0 =	sadd.s32 @!p0 $0x100000, s0;
	[bflag:$0x2] =	sbarrier.arrive $0xFFFF  }
0x7a: {  	[sflag:s0] =	ssyncadd.tile.s32 @!p0 $0x1;
	_ =	shalt  }
.Lfunc_end2:
_tile_overlayer_lowered:
.L_overlay_start_2:
0x7b: {  	(tag) =	ssettag $0x2  }
0x7c: {  	s0 =	rddreg [dreg:$0x0];
	s2 =	stileid.u32  }
0x7d: {  	s1 =	rddreg [dreg:$0x1];
	p0 =	sne.s32 s2, $0x0  }
0x7e: {  	s3 =	rddreg [dreg:$0x2];
	[bflag:$0x3] =	sbarrier.arrive $0xFFFF;
	s2 =	simm.s32 @!p0 $0x1C03  }
0x7f: {  	[timem:s3], [sflag:s2] =	dma.local @!p0 [hbm:s0], s1  }
0x80: {  	s0 =	simm.s32 @!p0 $0x3  }
0x81: {  	_ =	swait.ge @!p0 [sflag:s0], s1  }
0x82: {  	s1 =	ssub.s32 @!p0 $0x0, s1;
	[sflag:s0] =	ssyncset.done @!p0 $0x0  }
0x83: {  	[sflag:s0] =	ssyncadd.s32 @!p0 s1  }
0x84: {  	[bflag:$0x3] =	sbarrier.arrive $0xFFFF  }
0x85: {  	_ =	shalt  }

</sc_bundles>
